<compile_context>
chip_gen: v7x
topology: tpu7x:2x2x1
jax: 0.10.2.dev20260603
libtpu: 0.0.44.dev20260713+nightly
codegen_flags: <defaults>
</compile_context>

<pallas_src>
import functools

import jax
import jax.numpy as jnp
from jax import lax
from jax.experimental import pallas as pl
from jax.experimental.pallas import tpu as pltpu
from jax.experimental.pallas import tpu_sc as plsc

NN = 10000
NP = 10016
DUMMY = NN
D = 128
HID = 64
HEADS = 4
EB1 = 96
EB2 = 128
NC, NS = 2, 16
EP = NS * 10752
W1 = 136
W2 = 72
RPT = NP // NS

_HI = lax.Precision.HIGHEST



def _proj1_body(x_ref, wl_ref, bl_ref, wr_ref, br_ref, xl_ref, xr_ref):
    c = pl.program_id(0)
    xb = x_ref[...]
    xl_ref[...] = jnp.dot(xb, wl_ref[...], precision=_HI) + bl_ref[pl.ds(c, 1), :]
    xr_ref[...] = jnp.dot(xb, wr_ref[...], precision=_HI) + br_ref[pl.ds(c, 1), :]


def _proj1(xp, wl, bl, wr, br):
    blk = NP // 4
    return pl.pallas_call(
        _proj1_body,
        grid=(2, 4),
        in_specs=[
            pl.BlockSpec((NP // 4, D), lambda c, i: (i, 0)),
            pl.BlockSpec((D, D), lambda c, i: (0, c)),
            pl.BlockSpec((2, D), lambda c, i: (0, 0)),
            pl.BlockSpec((D, D), lambda c, i: (0, c)),
            pl.BlockSpec((2, D), lambda c, i: (0, 0)),
        ],
        out_specs=[
            pl.BlockSpec((NP // 4, D), lambda c, i: (c * 4 + i, 0)),
            pl.BlockSpec((NP // 4, D), lambda c, i: (c * 4 + i, 0)),
        ],
        out_shape=[
            jax.ShapeDtypeStruct((NC * NP, D), jnp.float32),
            jax.ShapeDtypeStruct((NC * NP, D), jnp.float32),
        ],
        compiler_params=pltpu.CompilerParams(
            vmem_limit_bytes=100 * 1024 * 1024),
    )(xp, wl, bl, wr, br)


def _mid_body(acc_ref, b1_ref, wl_ref, bl_ref, wr_ref, br_ref, xl_ref, xr_ref):
    parts = []
    for c in range(2):
        a = acc_ref[c]
        for k in range(2):
            num = a[:, HID * k:HID * k + HID]
            den = a[:, D + k:D + k + 1] + 1e-16
            parts.append(num / den)
    h = jnp.concatenate(parts, axis=1) + b1_ref[...]
    h = jnp.where(h > 0, h, jnp.exp(jnp.minimum(h, 0.0)) - 1.0)
    xl_ref[...] = jnp.dot(h, wl_ref[...], precision=_HI) + bl_ref[...]
    xr_ref[...] = jnp.dot(h, wr_ref[...], precision=_HI) + br_ref[...]


def _mid(acc1, b1, wl, bl, wr, br):
    return pl.pallas_call(
        _mid_body,
        grid=(4,),
        in_specs=[
            pl.BlockSpec((2, NP // 4, W1), lambda i: (0, i, 0)),
            pl.BlockSpec((1, 4 * HID), lambda i: (0, 0)),
            pl.BlockSpec((4 * HID, HID), lambda i: (0, 0)),
            pl.BlockSpec((1, HID), lambda i: (0, 0)),
            pl.BlockSpec((4 * HID, HID), lambda i: (0, 0)),
            pl.BlockSpec((1, HID), lambda i: (0, 0)),
        ],
        out_specs=[
            pl.BlockSpec((NP // 4, HID), lambda i: (i, 0)),
            pl.BlockSpec((NP // 4, HID), lambda i: (i, 0)),
        ],
        out_shape=[
            jax.ShapeDtypeStruct((NP, HID), jnp.float32),
            jax.ShapeDtypeStruct((NP, HID), jnp.float32),
        ],
        compiler_params=pltpu.CompilerParams(
            vmem_limit_bytes=100 * 1024 * 1024),
    )(acc1, b1, wl, bl, wr, br)


def _fin_body(acc_ref, b2_ref, wa_ref, ba_ref, wrc_ref, brc_ref, y1_ref, y2_ref):
    a0 = acc_ref[0]
    a1 = acc_ref[1]
    den = a0[:, HID:HID + 1] + a1[:, HID:HID + 1] + 1e-16
    h = (a0[:, :HID] + a1[:, :HID]) / den + b2_ref[...]
    z1 = jnp.dot(h, wa_ref[...], precision=_HI) + ba_ref[...]
    z2 = jnp.dot(h, wrc_ref[...], precision=_HI) + brc_ref[...]
    y1_ref[...] = 1.0 / (1.0 + jnp.exp(-z1))
    y2_ref[...] = 1.0 / (1.0 + jnp.exp(-z2))


def _fin(acc2, b2, wa, ba, wrc, brc):
    blk = 1000
    return pl.pallas_call(
        _fin_body,
        grid=(NN // blk,),
        in_specs=[
            pl.BlockSpec((2, blk, W2), lambda i: (0, i, 0)),
            pl.BlockSpec((1, HID), lambda i: (0, 0)),
            pl.BlockSpec((HID, 1), lambda i: (0, 0)),
            pl.BlockSpec((1, 1), lambda i: (0, 0)),
            pl.BlockSpec((HID, 1), lambda i: (0, 0)),
            pl.BlockSpec((1, 1), lambda i: (0, 0)),
        ],
        out_specs=[
            pl.BlockSpec((blk, 1), lambda i: (i, 0)),
            pl.BlockSpec((blk, 1), lambda i: (i, 0)),
        ],
        out_shape=[
            jax.ShapeDtypeStruct((NN, 1), jnp.float32),
            jax.ShapeDtypeStruct((NN, 1), jnp.float32),
        ],
        compiler_params=pltpu.CompilerParams(
            vmem_limit_bytes=100 * 1024 * 1024),
    )(acc2, b2, wa, ba, wrc, brc)



_MESH = plsc.VectorSubcoreMesh(core_axis_name="c", subcore_axis_name="s")
_SC_PARAMS = pltpu.CompilerParams(
    use_tc_tiling_on_sc=False, needs_layout_passes=False)


def _zero_acc(pay, acc, sid, width_rows):
    base = sid * RPT
    done = 0
    while done + width_rows <= RPT:
        pltpu.sync_copy(pay, acc.at[pl.ds(base + done, width_rows)])
        done += width_rows
    if done < RPT:
        pltpu.sync_copy(pay.at[pl.ds(0, RPT - done)],
                        acc.at[pl.ds(base + done, RPT - done)])


@functools.partial(
    pl.kernel,
    out_type=jax.ShapeDtypeStruct((NC * NP, W1), jnp.float32),
    mesh=_MESH,
    compiler_params=_SC_PARAMS,
    scratch_types=[
        pltpu.VMEM((EB1,), jnp.int32),
        pltpu.VMEM((EB1,), jnp.int32),
        pltpu.VMEM((EB1,), jnp.int32),
        pltpu.VMEM((EB1, D), jnp.float32),
        pltpu.VMEM((EB1, D), jnp.float32),
        pltpu.VMEM((EB1, W1), jnp.float32),
        pltpu.VMEM((D * 16,), jnp.float32),
        pltpu.VMEM_SHARED((NP, W1), jnp.float32),
        pltpu.SemaphoreType.DMA,
        pltpu.SemaphoreType.DMA,
    ],
)
def _edge1(src_h, dst_h, xl_h, xr_h, att_h, zb_h, out_h,
           sidx, gidx, didx, rows_l, rows_r, pay, att_b, acc, sem1, sem2):
    cid = lax.axis_index("c")
    sid = lax.axis_index("s")
    iota16 = lax.iota(jnp.int32, 16)

    pltpu.sync_copy(att_h.at[cid], att_b)
    pltpu.sync_copy(zb_h, pay)
    _zero_acc(pay, acc, sid, EB1)
    plsc.subcore_barrier()

    core_off = cid * NP
    tile_edges = EP // NS
    ebase = sid * tile_edges

    @pl.loop(0, tile_edges // EB1)
    def _batch(b):
        eb0 = ebase + b * EB1
        pltpu.sync_copy(src_h.at[pl.ds(eb0, EB1)], sidx)
        pltpu.sync_copy(dst_h.at[pl.ds(eb0, EB1)], didx)

        @pl.loop(0, EB1 // 16)
        def _off(i):
            sl = pl.ds(i * 16, 16)
            sidx[sl] = sidx[sl] + core_off
            gidx[sl] = didx[sl] + core_off

        cp1 = pltpu.async_copy(xl_h.at[sidx], rows_l, sem1)
        cp2 = pltpu.async_copy(xr_h.at[gidx], rows_r, sem2)
        cp1.wait()
        cp2.wait()

        @pl.loop(0, EB1 // 16)
        def _group(g):
            ev = g * 16 + iota16
            zi = jnp.zeros((16,), jnp.int32)
            zf = jnp.zeros((16,), jnp.float32)

            @pl.loop(0, HID, init_carry=(zf, zf), unroll=4)
            def _logits(c, carry):
                l0, l1 = carry
                cv = zi + c
                s0 = (plsc.load_gather(rows_l, [ev, cv])
                      + plsc.load_gather(rows_r, [ev, cv]))
                l0 = l0 + jnp.maximum(s0, 0.2 * s0) * att_b[pl.ds(c * 16, 16)]
                cv2 = cv + HID
                s1 = (plsc.load_gather(rows_l, [ev, cv2])
                      + plsc.load_gather(rows_r, [ev, cv2]))
                l1 = l1 + jnp.maximum(s1, 0.2 * s1) * att_b[pl.ds((c + HID) * 16, 16)]
                return l0, l1

            l0, l1 = _logits
            t0 = jnp.exp(l0)
            t1 = jnp.exp(l1)

            @pl.loop(0, HID, unroll=4)
            def _payload(c):
                cv = zi + c
                xlc = plsc.load_gather(rows_l, [ev, cv])
                plsc.store_scatter(pay, [ev, cv], xlc * t0)
                cv2 = cv + HID
                xlc2 = plsc.load_gather(rows_l, [ev, cv2])
                plsc.store_scatter(pay, [ev, cv2], xlc2 * t1)

            plsc.store_scatter(pay, [ev, zi + D], t0)
            plsc.store_scatter(pay, [ev, zi + (D + 1)], t1)

        pltpu.sync_copy(pay, acc.at[didx], add=True)

    plsc.subcore_barrier()
    pltpu.sync_copy(acc.at[pl.ds(sid * RPT, RPT)],
                    out_h.at[pl.ds(cid * NP + sid * RPT, RPT)])


@functools.partial(
    pl.kernel,
    out_type=jax.ShapeDtypeStruct((NC * NP, W2), jnp.float32),
    mesh=_MESH,
    compiler_params=_SC_PARAMS,
    scratch_types=[
        pltpu.VMEM((EB2,), jnp.int32),
        pltpu.VMEM((EB2,), jnp.int32),
        pltpu.VMEM((EB2, HID), jnp.float32),
        pltpu.VMEM((EB2, HID), jnp.float32),
        pltpu.VMEM((EB2, W2), jnp.float32),
        pltpu.VMEM((HID * 16,), jnp.float32),
        pltpu.VMEM_SHARED((NP, W2), jnp.float32),
        pltpu.SemaphoreType.DMA,
        pltpu.SemaphoreType.DMA,
    ],
)
def _edge2(src_h, dst_h, xl_h, xr_h, att_h, zb_h, out_h,
           sidx, didx, rows_l, rows_r, pay, att_b, acc, sem1, sem2):
    cid = lax.axis_index("c")
    sid = lax.axis_index("s")
    iota16 = lax.iota(jnp.int32, 16)

    pltpu.sync_copy(att_h, att_b)
    pltpu.sync_copy(zb_h, pay)
    _zero_acc(pay, acc, sid, EB2)
    plsc.subcore_barrier()

    tile_edges = EP // (NC * NS)
    ebase = cid * (EP // NC) + sid * tile_edges

    @pl.loop(0, tile_edges // EB2)
    def _batch(b):
        eb0 = ebase + b * EB2
        pltpu.sync_copy(src_h.at[pl.ds(eb0, EB2)], sidx)
        pltpu.sync_copy(dst_h.at[pl.ds(eb0, EB2)], didx)

        cp1 = pltpu.async_copy(xl_h.at[sidx], rows_l, sem1)
        cp2 = pltpu.async_copy(xr_h.at[didx], rows_r, sem2)
        cp1.wait()
        cp2.wait()

        @pl.loop(0, EB2 // 16)
        def _group(g):
            ev = g * 16 + iota16
            zi = jnp.zeros((16,), jnp.int32)
            zf = jnp.zeros((16,), jnp.float32)

            @pl.loop(0, HID, init_carry=zf, unroll=4)
            def _logits(c, lg):
                cv = zi + c
                s = (plsc.load_gather(rows_l, [ev, cv])
                     + plsc.load_gather(rows_r, [ev, cv]))
                return lg + jnp.maximum(s, 0.2 * s) * att_b[pl.ds(c * 16, 16)]

            t = jnp.exp(_logits)

            @pl.loop(0, HID, unroll=4)
            def _payload(c):
                cv = zi + c
                xlc = plsc.load_gather(rows_l, [ev, cv])
                plsc.store_scatter(pay, [ev, cv], xlc * t)

            plsc.store_scatter(pay, [ev, zi + HID], t)

        pltpu.sync_copy(pay, acc.at[didx], add=True)

    plsc.subcore_barrier()
    pltpu.sync_copy(acc.at[pl.ds(sid * RPT, RPT)],
                    out_h.at[pl.ds(cid * NP + sid * RPT, RPT)])



def kernel(x, edge_index, Wl1, bl1, Wr1, br1, att1, bias1,
           Wl2, bl2, Wr2, br2, att2, bias2, Wa, ba, Wrc, brc):
    f32 = jnp.float32
    e = edge_index.shape[1]
    xp = jnp.concatenate([x, jnp.zeros((NP - NN, D), f32)], axis=0)
    loop = jnp.arange(NN, dtype=jnp.int32)
    npad = EP - (e + NN)
    src = jnp.concatenate([edge_index[0], loop,
                           jnp.zeros((npad,), jnp.int32)])
    dst = jnp.concatenate([edge_index[1], loop,
                           jnp.full((npad,), DUMMY, jnp.int32)])

    xl1, xr1 = _proj1(xp, Wl1, bl1.reshape(2, D), Wr1, br1.reshape(2, D))
    attb1 = jnp.broadcast_to(att1.reshape(2, D)[:, :, None],
                             (2, D, 16)).reshape(2, D * 16)
    zb1 = jnp.zeros((EB1, W1), f32)
    acc1 = _edge1(src, dst, xl1, xr1, attb1, zb1)

    xl2, xr2 = _mid(acc1.reshape(2, NP, W1), bias1.reshape(1, 4 * HID),
                    Wl2, bl2.reshape(1, HID), Wr2, br2.reshape(1, HID))
    attb2 = jnp.broadcast_to(att2.reshape(HID)[:, None],
                             (HID, 16)).reshape(HID * 16)
    zb2 = jnp.zeros((EB2, W2), f32)
    acc2 = _edge2(src, dst, xl2, xr2, attb2, zb2)

    return _fin(acc2.reshape(2, NP, W2), bias2.reshape(1, HID),
                Wa, ba.reshape(1, 1), Wrc, brc.reshape(1, 1))

# --- scband reference (transcript-rebuilt; emitter-appended) ---
"""Pipeline reference for scband-dependency-graph-analyzer-59133109731856 (READ-ONLY COPY).

The authoritative reference and input builder live on the scoring server;
editing this copy changes nothing except your own understanding.
"""

import jax, jax.numpy as jnp
import numpy as np

N, E, D, HID, HEADS = 10000, 160000, 128, 64, 4


def gatv2_layer(x, src, dst, num_nodes, Wl, bl, Wr, br, att, bias, heads, out_ch, concat):
    # GATv2: e_ij = att . LeakyReLU(W_l x_j + W_r x_i); softmax over incoming edges of i
    x_l = (x @ Wl + bl).reshape(num_nodes, heads, out_ch)
    x_r = (x @ Wr + br).reshape(num_nodes, heads, out_ch)
    xj = x_l[src]              # [Etot, H, C] gathered source features (messages)
    xi = x_r[dst]              # [Etot, H, C] gathered target features
    e = jax.nn.leaky_relu(xj + xi, negative_slope=0.2)
    logits = jnp.sum(e * att[None, :, :], axis=-1)   # [Etot, H]
    m = jax.ops.segment_max(logits, dst, num_segments=num_nodes)
    alpha = jnp.exp(logits - m[dst])
    denom = jax.ops.segment_sum(alpha, dst, num_segments=num_nodes)
    alpha = alpha / (denom[dst] + 1e-16)
    out = jax.ops.segment_sum(xj * alpha[:, :, None], dst, num_segments=num_nodes)
    if concat:
        out = out.reshape(num_nodes, heads * out_ch)
    else:
        out = out.mean(axis=1)
    return out + bias


def setup_inputs(seed: int = 0):
    key = jax.random.key(seed)
    ks = jax.random.split(key, 20)
    s = 0.05
    x = jax.random.normal(ks[0], (N, D), dtype=jnp.float32)
    edge_index = jax.random.randint(ks[1], (2, E), 0, N, dtype=jnp.int32)
    params = {
        'Wl1': jax.random.normal(ks[2], (D, HEADS * HID), dtype=jnp.float32) * s,
        'bl1': jnp.zeros((HEADS * HID,), dtype=jnp.float32),
        'Wr1': jax.random.normal(ks[3], (D, HEADS * HID), dtype=jnp.float32) * s,
        'br1': jnp.zeros((HEADS * HID,), dtype=jnp.float32),
        'att1': jax.random.normal(ks[4], (HEADS, HID), dtype=jnp.float32) * s,
        'bias1': jnp.zeros((HEADS * HID,), dtype=jnp.float32),
        'Wl2': jax.random.normal(ks[5], (HEADS * HID, HID), dtype=jnp.float32) * s,
        'bl2': jnp.zeros((HID,), dtype=jnp.float32),
        'Wr2': jax.random.normal(ks[6], (HEADS * HID, HID), dtype=jnp.float32) * s,
        'br2': jnp.zeros((HID,), dtype=jnp.float32),
        'att2': jax.random.normal(ks[7], (1, HID), dtype=jnp.float32) * s,
        'bias2': jnp.zeros((HID,), dtype=jnp.float32),
        'Wa': jax.random.normal(ks[8], (HID, 1), dtype=jnp.float32) * s,
        'ba': jnp.zeros((1,), dtype=jnp.float32),
        'Wrc': jax.random.normal(ks[9], (HID, 1), dtype=jnp.float32) * s,
        'brc': jnp.zeros((1,), dtype=jnp.float32),
    }
    return {'x': x, 'edge_index': edge_index, **params}


def reference(x, edge_index, Wl1, bl1, Wr1, br1, att1, bias1,
              Wl2, bl2, Wr2, br2, att2, bias2, Wa, ba, Wrc, brc):
    num_nodes = x.shape[0]
    # add self loops (PyG GATv2Conv default add_self_loops=True)
    loop = jnp.arange(num_nodes, dtype=edge_index.dtype)
    src = jnp.concatenate([edge_index[0], loop])
    dst = jnp.concatenate([edge_index[1], loop])
    h = gatv2_layer(x, src, dst, num_nodes, Wl1, bl1, Wr1, br1, att1, bias1, HEADS, HID, True)
    h = jax.nn.elu(h)
    # dropout p=0.2 is a no-op in eval mode
    h = gatv2_layer(h, src, dst, num_nodes, Wl2, bl2, Wr2, br2, att2, bias2, 1, HID, False)
    anomaly_scores = jax.nn.sigmoid(h @ Wa + ba)
    root_cause_probs = jax.nn.sigmoid(h @ Wrc + brc)
    return (anomaly_scores, root_cause_probs)

if __name__ == "__main__":
    import jax
    _d = setup_inputs()
    print(jax.jit(kernel)(*tuple(_d.values())))

</pallas_src>

<mosaic_0001>
#map = affine_map<(d0, d1) -> (0)>
#map1 = affine_map<(d0, d1) -> (0, 0)>
module attributes {stable_mosaic.version = 14 : i64} {
  func.func @_edge1(%arg0: i32, %arg1: i32, %arg2: memref<172032xi32, #tpu.memory_space<hbm>>, %arg3: memref<172032xi32, #tpu.memory_space<hbm>>, %arg4: memref<20032x128xf32, #tpu.memory_space<hbm>>, %arg5: memref<20032x128xf32, #tpu.memory_space<hbm>>, %arg6: memref<2x2048xf32, #tpu.memory_space<hbm>>, %arg7: memref<96x136xf32, #tpu.memory_space<hbm>>, %arg8: memref<20032x136xf32, #tpu.memory_space<hbm>>, %arg9: memref<96xi32, #tpu.memory_space<vmem>>, %arg10: memref<96xi32, #tpu.memory_space<vmem>>, %arg11: memref<96xi32, #tpu.memory_space<vmem>>, %arg12: memref<96x128xf32, #tpu.memory_space<vmem>>, %arg13: memref<96x128xf32, #tpu.memory_space<vmem>>, %arg14: memref<96x136xf32, #tpu.memory_space<vmem>>, %arg15: memref<2048xf32, #tpu.memory_space<vmem>>, %arg16: memref<10016x136xf32, #tpu.memory_space<vmem_shared>>, %arg17: memref<!tpu.dma_semaphore, #tpu.memory_space<semaphore_mem>>, %arg18: memref<!tpu.dma_semaphore, #tpu.memory_space<semaphore_mem>>) attributes {dimension_semantics = [#tpu.dimension_semantics<core_parallel>, #tpu.dimension_semantics<subcore_parallel>], iteration_bounds = array<i64: 2, 16>, scalar_prefetch = 0 : i64, scratch_operands = 10 : i64, tpu.core_type = #tpu.core_type<sc_vector_subcore>, window_params = [{transform_indices = #map}, {transform_indices = #map}, {transform_indices = #map1}, {transform_indices = #map1}, {transform_indices = #map1}, {transform_indices = #map1}, {transform_indices = #map1}]} {
    %iota3A = tpu.iota {dimensions = array<i32: 0>} : vector<16xi32>
    "tpu.region"() ({
      %run_scoped3A = tpu.sem_alloc : memref<!tpu.dma_semaphore, #tpu.memory_space<semaphore_mem>>
      %dma_start3A = arith.constant 0 : i32
      %dma_start3A_30 = tpu.memref_slice %arg6[%arg0, %dma_start3A] : memref<2x2048xf32, #tpu.memory_space<hbm>> -> memref<1x2048xf32, #tpu.memory_space<hbm>>
      %dma_start3A_31 = tpu.memref_squeeze %dma_start3A_30 : memref<1x2048xf32, #tpu.memory_space<hbm>> -> memref<2048xf32, #tpu.memory_space<hbm>>
      %dma_start3A_32 = arith.constant 0 : i32
      %dma_start3A_33 = tpu.memref_slice %arg6[%arg0, %dma_start3A_32] : memref<2x2048xf32, #tpu.memory_space<hbm>> -> memref<1x2048xf32, #tpu.memory_space<hbm>>
      %dma_start3A_34 = tpu.memref_squeeze %dma_start3A_33 : memref<1x2048xf32, #tpu.memory_space<hbm>> -> memref<2048xf32, #tpu.memory_space<hbm>>
      tpu.enqueue_dma source(%dma_start3A_34 : memref<2048xf32, #tpu.memory_space<hbm>>) target(%arg15 : memref<2048xf32, #tpu.memory_space<vmem>>) target_semaphore(%run_scoped3A : memref<!tpu.dma_semaphore, #tpu.memory_space<semaphore_mem>>)
      %dma_wait3A = arith.constant 0 : i32
      %dma_wait3A_35 = tpu.memref_slice %arg6[%arg0, %dma_wait3A] : memref<2x2048xf32, #tpu.memory_space<hbm>> -> memref<1x2048xf32, #tpu.memory_space<hbm>>
      %dma_wait3A_36 = tpu.memref_squeeze %dma_wait3A_35 : memref<1x2048xf32, #tpu.memory_space<hbm>> -> memref<2048xf32, #tpu.memory_space<hbm>>
      %dma_wait3A_37 = arith.constant 0 : i32
      %dma_wait3A_38 = tpu.memref_slice %arg6[%arg0, %dma_wait3A_37] : memref<2x2048xf32, #tpu.memory_space<hbm>> -> memref<1x2048xf32, #tpu.memory_space<hbm>>
      %dma_wait3A_39 = tpu.memref_squeeze %dma_wait3A_38 : memref<1x2048xf32, #tpu.memory_space<hbm>> -> memref<2048xf32, #tpu.memory_space<hbm>>
      tpu.wait_dma2 semaphore(%run_scoped3A : memref<!tpu.dma_semaphore, #tpu.memory_space<semaphore_mem>>) src(%dma_wait3A_39 : memref<2048xf32, #tpu.memory_space<hbm>>) dst(%arg15 : memref<2048xf32, #tpu.memory_space<vmem>>)
      tpu.yield
    }) : () -> ()
    "tpu.region"() ({
      %run_scoped3A = tpu.sem_alloc : memref<!tpu.dma_semaphore, #tpu.memory_space<semaphore_mem>>
      tpu.enqueue_dma source(%arg7 : memref<96x136xf32, #tpu.memory_space<hbm>>) target(%arg14 : memref<96x136xf32, #tpu.memory_space<vmem>>) target_semaphore(%run_scoped3A : memref<!tpu.dma_semaphore, #tpu.memory_space<semaphore_mem>>)
      tpu.wait_dma2 semaphore(%run_scoped3A : memref<!tpu.dma_semaphore, #tpu.memory_space<semaphore_mem>>) src(%arg7 : memref<96x136xf32, #tpu.memory_space<hbm>>) dst(%arg14 : memref<96x136xf32, #tpu.memory_space<vmem>>)
      tpu.yield
    }) : () -> ()
    %mul3A = arith.constant 626 : i32
    %mul3A_0 = arith.muli %arg1, %mul3A : i32
    %add3A = arith.constant 0 : i32
    %add3A_1 = arith.addi %mul3A_0, %add3A : i32
    "tpu.region"() ({
      %run_scoped3A = tpu.sem_alloc : memref<!tpu.dma_semaphore, #tpu.memory_space<semaphore_mem>>
      %dma_start3A = arith.constant 0 : i32
      %dma_start3A_30 = tpu.memref_slice %arg16[%add3A_1, %dma_start3A] : memref<10016x136xf32, #tpu.memory_space<vmem_shared>> -> memref<96x136xf32, #tpu.memory_space<vmem_shared>>
      %dma_start3A_31 = arith.constant 0 : i32
      %dma_start3A_32 = tpu.memref_slice %arg16[%add3A_1, %dma_start3A_31] : memref<10016x136xf32, #tpu.memory_space<vmem_shared>> -> memref<96x136xf32, #tpu.memory_space<vmem_shared>>
      tpu.enqueue_dma source(%arg14 : memref<96x136xf32, #tpu.memory_space<vmem>>) target(%dma_start3A_32 : memref<96x136xf32, #tpu.memory_space<vmem_shared>>) target_semaphore(%run_scoped3A : memref<!tpu.dma_semaphore, #tpu.memory_space<semaphore_mem>>)
      %dma_wait3A = arith.constant 0 : i32
      %dma_wait3A_33 = tpu.memref_slice %arg16[%add3A_1, %dma_wait3A] : memref<10016x136xf32, #tpu.memory_space<vmem_shared>> -> memref<96x136xf32, #tpu.memory_space<vmem_shared>>
      %dma_wait3A_34 = arith.constant 0 : i32
      %dma_wait3A_35 = tpu.memref_slice %arg16[%add3A_1, %dma_wait3A_34] : memref<10016x136xf32, #tpu.memory_space<vmem_shared>> -> memref<96x136xf32, #tpu.memory_space<vmem_shared>>
      tpu.wait_dma2 semaphore(%run_scoped3A : memref<!tpu.dma_semaphore, #tpu.memory_space<semaphore_mem>>) src(%arg14 : memref<96x136xf32, #tpu.memory_space<vmem>>) dst(%dma_wait3A_35 : memref<96x136xf32, #tpu.memory_space<vmem_shared>>)
      tpu.yield
    }) : () -> ()
    %add3A_2 = arith.constant 96 : i32
    %add3A_3 = arith.addi %mul3A_0, %add3A_2 : i32
    "tpu.region"() ({
      %run_scoped3A = tpu.sem_alloc : memref<!tpu.dma_semaphore, #tpu.memory_space<semaphore_mem>>
      %dma_start3A = arith.constant 0 : i32
      %dma_start3A_30 = tpu.memref_slice %arg16[%add3A_3, %dma_start3A] : memref<10016x136xf32, #tpu.memory_space<vmem_shared>> -> memref<96x136xf32, #tpu.memory_space<vmem_shared>>
      %dma_start3A_31 = arith.constant 0 : i32
      %dma_start3A_32 = tpu.memref_slice %arg16[%add3A_3, %dma_start3A_31] : memref<10016x136xf32, #tpu.memory_space<vmem_shared>> -> memref<96x136xf32, #tpu.memory_space<vmem_shared>>
      tpu.enqueue_dma source(%arg14 : memref<96x136xf32, #tpu.memory_space<vmem>>) target(%dma_start3A_32 : memref<96x136xf32, #tpu.memory_space<vmem_shared>>) target_semaphore(%run_scoped3A : memref<!tpu.dma_semaphore, #tpu.memory_space<semaphore_mem>>)
      %dma_wait3A = arith.constant 0 : i32
      %dma_wait3A_33 = tpu.memref_slice %arg16[%add3A_3, %dma_wait3A] : memref<10016x136xf32, #tpu.memory_space<vmem_shared>> -> memref<96x136xf32, #tpu.memory_space<vmem_shared>>
      %dma_wait3A_34 = arith.constant 0 : i32
      %dma_wait3A_35 = tpu.memref_slice %arg16[%add3A_3, %dma_wait3A_34] : memref<10016x136xf32, #tpu.memory_space<vmem_shared>> -> memref<96x136xf32, #tpu.memory_space<vmem_shared>>
      tpu.wait_dma2 semaphore(%run_scoped3A : memref<!tpu.dma_semaphore, #tpu.memory_space<semaphore_mem>>) src(%arg14 : memref<96x136xf32, #tpu.memory_space<vmem>>) dst(%dma_wait3A_35 : memref<96x136xf32, #tpu.memory_space<vmem_shared>>)
      tpu.yield
    }) : () -> ()
    %add3A_4 = arith.constant 192 : i32
    %add3A_5 = arith.addi %mul3A_0, %add3A_4 : i32
    "tpu.region"() ({
      %run_scoped3A = tpu.sem_alloc : memref<!tpu.dma_semaphore, #tpu.memory_space<semaphore_mem>>
      %dma_start3A = arith.constant 0 : i32
      %dma_start3A_30 = tpu.memref_slice %arg16[%add3A_5, %dma_start3A] : memref<10016x136xf32, #tpu.memory_space<vmem_shared>> -> memref<96x136xf32, #tpu.memory_space<vmem_shared>>
      %dma_start3A_31 = arith.constant 0 : i32
      %dma_start3A_32 = tpu.memref_slice %arg16[%add3A_5, %dma_start3A_31] : memref<10016x136xf32, #tpu.memory_space<vmem_shared>> -> memref<96x136xf32, #tpu.memory_space<vmem_shared>>
      tpu.enqueue_dma source(%arg14 : memref<96x136xf32, #tpu.memory_space<vmem>>) target(%dma_start3A_32 : memref<96x136xf32, #tpu.memory_space<vmem_shared>>) target_semaphore(%run_scoped3A : memref<!tpu.dma_semaphore, #tpu.memory_space<semaphore_mem>>)
      %dma_wait3A = arith.constant 0 : i32
      %dma_wait3A_33 = tpu.memref_slice %arg16[%add3A_5, %dma_wait3A] : memref<10016x136xf32, #tpu.memory_space<vmem_shared>> -> memref<96x136xf32, #tpu.memory_space<vmem_shared>>
      %dma_wait3A_34 = arith.constant 0 : i32
      %dma_wait3A_35 = tpu.memref_slice %arg16[%add3A_5, %dma_wait3A_34] : memref<10016x136xf32, #tpu.memory_space<vmem_shared>> -> memref<96x136xf32, #tpu.memory_space<vmem_shared>>
      tpu.wait_dma2 semaphore(%run_scoped3A : memref<!tpu.dma_semaphore, #tpu.memory_space<semaphore_mem>>) src(%arg14 : memref<96x136xf32, #tpu.memory_space<vmem>>) dst(%dma_wait3A_35 : memref<96x136xf32, #tpu.memory_space<vmem_shared>>)
      tpu.yield
    }) : () -> ()
    %add3A_6 = arith.constant 288 : i32
    %add3A_7 = arith.addi %mul3A_0, %add3A_6 : i32
    "tpu.region"() ({
      %run_scoped3A = tpu.sem_alloc : memref<!tpu.dma_semaphore, #tpu.memory_space<semaphore_mem>>
      %dma_start3A = arith.constant 0 : i32
      %dma_start3A_30 = tpu.memref_slice %arg16[%add3A_7, %dma_start3A] : memref<10016x136xf32, #tpu.memory_space<vmem_shared>> -> memref<96x136xf32, #tpu.memory_space<vmem_shared>>
      %dma_start3A_31 = arith.constant 0 : i32
      %dma_start3A_32 = tpu.memref_slice %arg16[%add3A_7, %dma_start3A_31] : memref<10016x136xf32, #tpu.memory_space<vmem_shared>> -> memref<96x136xf32, #tpu.memory_space<vmem_shared>>
      tpu.enqueue_dma source(%arg14 : memref<96x136xf32, #tpu.memory_space<vmem>>) target(%dma_start3A_32 : memref<96x136xf32, #tpu.memory_space<vmem_shared>>) target_semaphore(%run_scoped3A : memref<!tpu.dma_semaphore, #tpu.memory_space<semaphore_mem>>)
      %dma_wait3A = arith.constant 0 : i32
      %dma_wait3A_33 = tpu.memref_slice %arg16[%add3A_7, %dma_wait3A] : memref<10016x136xf32, #tpu.memory_space<vmem_shared>> -> memref<96x136xf32, #tpu.memory_space<vmem_shared>>
      %dma_wait3A_34 = arith.constant 0 : i32
      %dma_wait3A_35 = tpu.memref_slice %arg16[%add3A_7, %dma_wait3A_34] : memref<10016x136xf32, #tpu.memory_space<vmem_shared>> -> memref<96x136xf32, #tpu.memory_space<vmem_shared>>
      tpu.wait_dma2 semaphore(%run_scoped3A : memref<!tpu.dma_semaphore, #tpu.memory_space<semaphore_mem>>) src(%arg14 : memref<96x136xf32, #tpu.memory_space<vmem>>) dst(%dma_wait3A_35 : memref<96x136xf32, #tpu.memory_space<vmem_shared>>)
      tpu.yield
    }) : () -> ()
    %add3A_8 = arith.constant 384 : i32
    %add3A_9 = arith.addi %mul3A_0, %add3A_8 : i32
    "tpu.region"() ({
      %run_scoped3A = tpu.sem_alloc : memref<!tpu.dma_semaphore, #tpu.memory_space<semaphore_mem>>
      %dma_start3A = arith.constant 0 : i32
      %dma_start3A_30 = tpu.memref_slice %arg16[%add3A_9, %dma_start3A] : memref<10016x136xf32, #tpu.memory_space<vmem_shared>> -> memref<96x136xf32, #tpu.memory_space<vmem_shared>>
      %dma_start3A_31 = arith.constant 0 : i32
      %dma_start3A_32 = tpu.memref_slice %arg16[%add3A_9, %dma_start3A_31] : memref<10016x136xf32, #tpu.memory_space<vmem_shared>> -> memref<96x136xf32, #tpu.memory_space<vmem_shared>>
      tpu.enqueue_dma source(%arg14 : memref<96x136xf32, #tpu.memory_space<vmem>>) target(%dma_start3A_32 : memref<96x136xf32, #tpu.memory_space<vmem_shared>>) target_semaphore(%run_scoped3A : memref<!tpu.dma_semaphore, #tpu.memory_space<semaphore_mem>>)
      %dma_wait3A = arith.constant 0 : i32
      %dma_wait3A_33 = tpu.memref_slice %arg16[%add3A_9, %dma_wait3A] : memref<10016x136xf32, #tpu.memory_space<vmem_shared>> -> memref<96x136xf32, #tpu.memory_space<vmem_shared>>
      %dma_wait3A_34 = arith.constant 0 : i32
      %dma_wait3A_35 = tpu.memref_slice %arg16[%add3A_9, %dma_wait3A_34] : memref<10016x136xf32, #tpu.memory_space<vmem_shared>> -> memref<96x136xf32, #tpu.memory_space<vmem_shared>>
      tpu.wait_dma2 semaphore(%run_scoped3A : memref<!tpu.dma_semaphore, #tpu.memory_space<semaphore_mem>>) src(%arg14 : memref<96x136xf32, #tpu.memory_space<vmem>>) dst(%dma_wait3A_35 : memref<96x136xf32, #tpu.memory_space<vmem_shared>>)
      tpu.yield
    }) : () -> ()
    %add3A_10 = arith.constant 480 : i32
    %add3A_11 = arith.addi %mul3A_0, %add3A_10 : i32
    "tpu.region"() ({
      %run_scoped3A = tpu.sem_alloc : memref<!tpu.dma_semaphore, #tpu.memory_space<semaphore_mem>>
      %dma_start3A = arith.constant 0 : i32
      %dma_start3A_30 = tpu.memref_slice %arg16[%add3A_11, %dma_start3A] : memref<10016x136xf32, #tpu.memory_space<vmem_shared>> -> memref<96x136xf32, #tpu.memory_space<vmem_shared>>
      %dma_start3A_31 = arith.constant 0 : i32
      %dma_start3A_32 = tpu.memref_slice %arg16[%add3A_11, %dma_start3A_31] : memref<10016x136xf32, #tpu.memory_space<vmem_shared>> -> memref<96x136xf32, #tpu.memory_space<vmem_shared>>
      tpu.enqueue_dma source(%arg14 : memref<96x136xf32, #tpu.memory_space<vmem>>) target(%dma_start3A_32 : memref<96x136xf32, #tpu.memory_space<vmem_shared>>) target_semaphore(%run_scoped3A : memref<!tpu.dma_semaphore, #tpu.memory_space<semaphore_mem>>)
      %dma_wait3A = arith.constant 0 : i32
      %dma_wait3A_33 = tpu.memref_slice %arg16[%add3A_11, %dma_wait3A] : memref<10016x136xf32, #tpu.memory_space<vmem_shared>> -> memref<96x136xf32, #tpu.memory_space<vmem_shared>>
      %dma_wait3A_34 = arith.constant 0 : i32
      %dma_wait3A_35 = tpu.memref_slice %arg16[%add3A_11, %dma_wait3A_34] : memref<10016x136xf32, #tpu.memory_space<vmem_shared>> -> memref<96x136xf32, #tpu.memory_space<vmem_shared>>
      tpu.wait_dma2 semaphore(%run_scoped3A : memref<!tpu.dma_semaphore, #tpu.memory_space<semaphore_mem>>) src(%arg14 : memref<96x136xf32, #tpu.memory_space<vmem>>) dst(%dma_wait3A_35 : memref<96x136xf32, #tpu.memory_space<vmem_shared>>)
      tpu.yield
    }) : () -> ()
    %add3A_12 = arith.constant 576 : i32
    %add3A_13 = arith.addi %mul3A_0, %add3A_12 : i32
    "tpu.region"() ({
      %run_scoped3A = tpu.sem_alloc : memref<!tpu.dma_semaphore, #tpu.memory_space<semaphore_mem>>
      %dma_start3A = arith.constant 0 : i32
      %dma_start3A_30 = arith.constant 0 : i32
      %dma_start3A_31 = tpu.memref_slice %arg14[%dma_start3A, %dma_start3A_30] : memref<96x136xf32, #tpu.memory_space<vmem>> -> memref<50x136xf32, #tpu.memory_space<vmem>>
      %dma_start3A_32 = arith.constant 0 : i32
      %dma_start3A_33 = tpu.memref_slice %arg16[%add3A_13, %dma_start3A_32] : memref<10016x136xf32, #tpu.memory_space<vmem_shared>> -> memref<50x136xf32, #tpu.memory_space<vmem_shared>>
      %dma_start3A_34 = arith.constant 0 : i32
      %dma_start3A_35 = tpu.memref_slice %arg16[%add3A_13, %dma_start3A_34] : memref<10016x136xf32, #tpu.memory_space<vmem_shared>> -> memref<50x136xf32, #tpu.memory_space<vmem_shared>>
      %dma_start3A_36 = arith.constant 0 : i32
      %dma_start3A_37 = arith.constant 0 : i32
      %dma_start3A_38 = tpu.memref_slice %arg14[%dma_start3A_36, %dma_start3A_37] : memref<96x136xf32, #tpu.memory_space<vmem>> -> memref<50x136xf32, #tpu.memory_space<vmem>>
      tpu.enqueue_dma source(%dma_start3A_38 : memref<50x136xf32, #tpu.memory_space<vmem>>) target(%dma_start3A_35 : memref<50x136xf32, #tpu.memory_space<vmem_shared>>) target_semaphore(%run_scoped3A : memref<!tpu.dma_semaphore, #tpu.memory_space<semaphore_mem>>)
      %dma_wait3A = arith.constant 0 : i32
      %dma_wait3A_39 = arith.constant 0 : i32
      %dma_wait3A_40 = tpu.memref_slice %arg14[%dma_wait3A, %dma_wait3A_39] : memref<96x136xf32, #tpu.memory_space<vmem>> -> memref<50x136xf32, #tpu.memory_space<vmem>>
      %dma_wait3A_41 = arith.constant 0 : i32
      %dma_wait3A_42 = tpu.memref_slice %arg16[%add3A_13, %dma_wait3A_41] : memref<10016x136xf32, #tpu.memory_space<vmem_shared>> -> memref<50x136xf32, #tpu.memory_space<vmem_shared>>
      %dma_wait3A_43 = arith.constant 0 : i32
      %dma_wait3A_44 = tpu.memref_slice %arg16[%add3A_13, %dma_wait3A_43] : memref<10016x136xf32, #tpu.memory_space<vmem_shared>> -> memref<50x136xf32, #tpu.memory_space<vmem_shared>>
      %dma_wait3A_45 = arith.constant 0 : i32
      %dma_wait3A_46 = arith.constant 0 : i32
      %dma_wait3A_47 = tpu.memref_slice %arg14[%dma_wait3A_45, %dma_wait3A_46] : memref<96x136xf32, #tpu.memory_space<vmem>> -> memref<50x136xf32, #tpu.memory_space<vmem>>
      tpu.wait_dma2 semaphore(%run_scoped3A : memref<!tpu.dma_semaphore, #tpu.memory_space<semaphore_mem>>) src(%dma_wait3A_47 : memref<50x136xf32, #tpu.memory_space<vmem>>) dst(%dma_wait3A_44 : memref<50x136xf32, #tpu.memory_space<vmem_shared>>)
      tpu.yield
    }) : () -> ()
    %barrier3A = arith.constant 0 : index
    tpu.barrier barrier_id(%barrier3A)
    %mul3A_14 = arith.constant 10016 : i32
    %mul3A_15 = arith.muli %arg0, %mul3A_14 : i32
    %mul3A_16 = arith.constant 10752 : i32
    %mul3A_17 = arith.muli %arg1, %mul3A_16 : i32
    %scan3A = arith.constant 0 : i32
    %scan3A_18 = arith.constant 112 : i32
    %scan3A_19 = arith.addi %scan3A, %scan3A_18 : i32
    %scan3A_20 = arith.constant 1 : i32
    scf.for %scan3A_30 = %scan3A to %scan3A_19 step %scan3A_20  : i32 {
      %mul3A_31 = arith.constant 1 : i32
      %mul3A_32 = arith.muli %scan3A_30, %mul3A_31 : i32
      %add3A_33 = arith.constant 0 : i32
      %add3A_34 = arith.addi %add3A_33, %mul3A_32 : i32
      %mul3A_35 = arith.constant 96 : i32
      %mul3A_36 = arith.muli %add3A_34, %mul3A_35 : i32
      %add3A_37 = arith.addi %mul3A_17, %mul3A_36 : i32
      "tpu.region"() ({
        %run_scoped3A = tpu.sem_alloc : memref<!tpu.dma_semaphore, #tpu.memory_space<semaphore_mem>>
        %dma_start3A_58 = tpu.memref_slice %arg2[%add3A_37] : memref<172032xi32, #tpu.memory_space<hbm>> -> memref<96xi32, #tpu.memory_space<hbm>>
        %dma_start3A_59 = tpu.memref_slice %arg2[%add3A_37] : memref<172032xi32, #tpu.memory_space<hbm>> -> memref<96xi32, #tpu.memory_space<hbm>>
        tpu.enqueue_dma source(%dma_start3A_59 : memref<96xi32, #tpu.memory_space<hbm>>) target(%arg9 : memref<96xi32, #tpu.memory_space<vmem>>) target_semaphore(%run_scoped3A : memref<!tpu.dma_semaphore, #tpu.memory_space<semaphore_mem>>)
        %dma_wait3A_60 = tpu.memref_slice %arg2[%add3A_37] : memref<172032xi32, #tpu.memory_space<hbm>> -> memref<96xi32, #tpu.memory_space<hbm>>
        %dma_wait3A_61 = tpu.memref_slice %arg2[%add3A_37] : memref<172032xi32, #tpu.memory_space<hbm>> -> memref<96xi32, #tpu.memory_space<hbm>>
        tpu.wait_dma2 semaphore(%run_scoped3A : memref<!tpu.dma_semaphore, #tpu.memory_space<semaphore_mem>>) src(%dma_wait3A_61 : memref<96xi32, #tpu.memory_space<hbm>>) dst(%arg9 : memref<96xi32, #tpu.memory_space<vmem>>)
        tpu.yield
      }) : () -> ()
      "tpu.region"() ({
        %run_scoped3A = tpu.sem_alloc : memref<!tpu.dma_semaphore, #tpu.memory_space<semaphore_mem>>
        %dma_start3A_58 = tpu.memref_slice %arg3[%add3A_37] : memref<172032xi32, #tpu.memory_space<hbm>> -> memref<96xi32, #tpu.memory_space<hbm>>
        %dma_start3A_59 = tpu.memref_slice %arg3[%add3A_37] : memref<172032xi32, #tpu.memory_space<hbm>> -> memref<96xi32, #tpu.memory_space<hbm>>
        tpu.enqueue_dma source(%dma_start3A_59 : memref<96xi32, #tpu.memory_space<hbm>>) target(%arg11 : memref<96xi32, #tpu.memory_space<vmem>>) target_semaphore(%run_scoped3A : memref<!tpu.dma_semaphore, #tpu.memory_space<semaphore_mem>>)
        %dma_wait3A_60 = tpu.memref_slice %arg3[%add3A_37] : memref<172032xi32, #tpu.memory_space<hbm>> -> memref<96xi32, #tpu.memory_space<hbm>>
        %dma_wait3A_61 = tpu.memref_slice %arg3[%add3A_37] : memref<172032xi32, #tpu.memory_space<hbm>> -> memref<96xi32, #tpu.memory_space<hbm>>
        tpu.wait_dma2 semaphore(%run_scoped3A : memref<!tpu.dma_semaphore, #tpu.memory_space<semaphore_mem>>) src(%dma_wait3A_61 : memref<96xi32, #tpu.memory_space<hbm>>) dst(%arg11 : memref<96xi32, #tpu.memory_space<vmem>>)
        tpu.yield
      }) : () -> ()
      %scan3A_38 = arith.constant 0 : i32
      %scan3A_39 = arith.constant 6 : i32
      %scan3A_40 = arith.addi %scan3A_38, %scan3A_39 : i32
      %scan3A_41 = arith.constant 1 : i32
      scf.for %scan3A_58 = %scan3A_38 to %scan3A_40 step %scan3A_41  : i32 {
        %mul3A_59 = arith.constant 1 : i32
        %mul3A_60 = arith.muli %scan3A_58, %mul3A_59 : i32
        %add3A_61 = arith.constant 0 : i32
        %add3A_62 = arith.addi %add3A_61, %mul3A_60 : i32
        %mul3A_63 = arith.constant 16 : i32
        %mul3A_64 = arith.muli %add3A_62, %mul3A_63 : i32
        %get3A = arith.index_cast %mul3A_64 : i32 to index
        %get3A_65 = tpu.vector_load %arg9[%get3A] {strides = array<i32>} : memref<96xi32, #tpu.memory_space<vmem>>, vector<16xi32>,
        %add3A_66 = vector.broadcast %mul3A_15 : i32 to vector<16xi32>
        %add3A_67 = arith.addi %get3A_65, %add3A_66 : vector<16xi32>
        %swap3A = arith.index_cast %mul3A_64 : i32 to index
        %swap3A_68 = tpu.vector_load %arg9[%swap3A] {strides = array<i32>} : memref<96xi32, #tpu.memory_space<vmem>>, vector<16xi32>,
        tpu.vector_store %arg9[%swap3A], %add3A_67 {strides = array<i32>} : memref<96xi32, #tpu.memory_space<vmem>>, vector<16xi32>,
        %get3A_69 = arith.index_cast %mul3A_64 : i32 to index
        %get3A_70 = tpu.vector_load %arg11[%get3A_69] {strides = array<i32>} : memref<96xi32, #tpu.memory_space<vmem>>, vector<16xi32>,
        %add3A_71 = vector.broadcast %mul3A_15 : i32 to vector<16xi32>
        %add3A_72 = arith.addi %get3A_70, %add3A_71 : vector<16xi32>
        %swap3A_73 = arith.index_cast %mul3A_64 : i32 to index
        %swap3A_74 = tpu.vector_load %arg10[%swap3A_73] {strides = array<i32>} : memref<96xi32, #tpu.memory_space<vmem>>, vector<16xi32>,
        tpu.vector_store %arg10[%swap3A_73], %add3A_72 {strides = array<i32>} : memref<96xi32, #tpu.memory_space<vmem>>, vector<16xi32>,
      }
      %scan3A_42 = arith.constant 6 : i32
      %dma_start3A = arith.constant 0 : i32
      %dma_start3A_43 = arith.constant 0 : i32
      %dma_start3A_44 = tpu.memref_slice %arg4[%dma_start3A, %dma_start3A_43] : memref<20032x128xf32, #tpu.memory_space<hbm>> -> memref<20032x128xf32, #tpu.memory_space<hbm>>
      tpu.enqueue_indirect_dma source(%dma_start3A_44 : memref<20032x128xf32, #tpu.memory_space<hbm>>) target(%arg12 : memref<96x128xf32, #tpu.memory_space<vmem>>) offsets(%arg9 : memref<96xi32, #tpu.memory_space<vmem>>) semaphore(%arg17 : memref<!tpu.dma_semaphore, #tpu.memory_space<semaphore_mem>>)
      %dma_start3A_45 = arith.constant 0 : i32
      %dma_start3A_46 = arith.constant 0 : i32
      %dma_start3A_47 = tpu.memref_slice %arg5[%dma_start3A_45, %dma_start3A_46] : memref<20032x128xf32, #tpu.memory_space<hbm>> -> memref<20032x128xf32, #tpu.memory_space<hbm>>
      tpu.enqueue_indirect_dma source(%dma_start3A_47 : memref<20032x128xf32, #tpu.memory_space<hbm>>) target(%arg13 : memref<96x128xf32, #tpu.memory_space<vmem>>) offsets(%arg10 : memref<96xi32, #tpu.memory_space<vmem>>) semaphore(%arg18 : memref<!tpu.dma_semaphore, #tpu.memory_space<semaphore_mem>>)
      %dma_wait3A = arith.constant 0 : i32
      %dma_wait3A_48 = arith.constant 0 : i32
      %dma_wait3A_49 = tpu.memref_slice %arg4[%dma_wait3A, %dma_wait3A_48] : memref<20032x128xf32, #tpu.memory_space<hbm>> -> memref<20032x128xf32, #tpu.memory_space<hbm>>
      tpu.wait_indirect_dma semaphore(%arg17 : memref<!tpu.dma_semaphore, #tpu.memory_space<semaphore_mem>>) src(%dma_wait3A_49 : memref<20032x128xf32, #tpu.memory_space<hbm>>) dst(%arg12 : memref<96x128xf32, #tpu.memory_space<vmem>>)
      %dma_wait3A_50 = arith.constant 0 : i32
      %dma_wait3A_51 = arith.constant 0 : i32
      %dma_wait3A_52 = tpu.memref_slice %arg5[%dma_wait3A_50, %dma_wait3A_51] : memref<20032x128xf32, #tpu.memory_space<hbm>> -> memref<20032x128xf32, #tpu.memory_space<hbm>>
      tpu.wait_indirect_dma semaphore(%arg18 : memref<!tpu.dma_semaphore, #tpu.memory_space<semaphore_mem>>) src(%dma_wait3A_52 : memref<20032x128xf32, #tpu.memory_space<hbm>>) dst(%arg13 : memref<96x128xf32, #tpu.memory_space<vmem>>)
      %scan3A_53 = arith.constant 0 : i32
      %scan3A_54 = arith.constant 6 : i32
      %scan3A_55 = arith.addi %scan3A_53, %scan3A_54 : i32
      %scan3A_56 = arith.constant 1 : i32
      scf.for %scan3A_58 = %scan3A_53 to %scan3A_55 step %scan3A_56  : i32 {
        %mul3A_59 = arith.constant 1 : i32
        %mul3A_60 = arith.muli %scan3A_58, %mul3A_59 : i32
        %add3A_61 = arith.constant 0 : i32
        %add3A_62 = arith.addi %add3A_61, %mul3A_60 : i32
        %mul3A_63 = arith.constant 16 : i32
        %mul3A_64 = arith.muli %add3A_62, %mul3A_63 : i32
        %add3A_65 = vector.broadcast %mul3A_64 : i32 to vector<16xi32>
        %add3A_66 = arith.addi %add3A_65, %iota3A : vector<16xi32>
        %broadcast_in_dim3A = arith.constant 0 : i32
        %broadcast_in_dim3A_67 = vector.broadcast %broadcast_in_dim3A : i32 to vector<16xi32>
        %broadcast_in_dim3A_68 = arith.constant 0.000000e+00 : f32
        %broadcast_in_dim3A_69 = vector.broadcast %broadcast_in_dim3A_68 : f32 to vector<16xf32>
        %scan3A_70 = arith.constant 0 : i32
        %scan3A_71 = arith.constant 64 : i32
        %scan3A_72 = arith.addi %scan3A_70, %scan3A_71 : i32
        %scan3A_73 = arith.constant 4 : i32
        %scan3A_74:2 = scf.for %scan3A_88 = %scan3A_70 to %scan3A_72 step %scan3A_73 iter_args(%scan3A_89 = %broadcast_in_dim3A_69, %scan3A_90 = %broadcast_in_dim3A_69) -> (vector<16xf32>, vector<16xf32>)  : i32 {
          %mul3A_91 = arith.constant 1 : i32
          %mul3A_92 = arith.muli %scan3A_88, %mul3A_91 : i32
          %add3A_93 = arith.constant 0 : i32
          %add3A_94 = arith.addi %add3A_93, %mul3A_92 : i32
          %add3A_95 = vector.broadcast %add3A_94 : i32 to vector<16xi32>
          %add3A_96 = arith.addi %broadcast_in_dim3A_67, %add3A_95 : vector<16xi32>
          %gather3A = tpu.vector_load_idx %arg12[%add3A_66, %add3A_96] : memref<96x128xf32, #tpu.memory_space<vmem>>[vector<16xi32>, vector<16xi32>], vector<16xf32>,
          %gather3A_97 = tpu.vector_load_idx %arg13[%add3A_66, %add3A_96] : memref<96x128xf32, #tpu.memory_space<vmem>>[vector<16xi32>, vector<16xi32>], vector<16xf32>,
          %add3A_98 = arith.addf %gather3A, %gather3A_97 : vector<16xf32>
          %mul3A_99 = arith.constant 2.000000e-01 : f32
          %mul3A_100 = vector.broadcast %mul3A_99 : f32 to vector<16xf32>
          %mul3A_101 = arith.mulf %mul3A_100, %add3A_98 : vector<16xf32>
          %max3A = arith.maximumf %add3A_98, %mul3A_101 : vector<16xf32>
          %mul3A_102 = arith.constant 16 : i32
          %mul3A_103 = arith.muli %add3A_94, %mul3A_102 : i32
          %get3A = arith.index_cast %mul3A_103 : i32 to index
          %get3A_104 = tpu.vector_load %arg15[%get3A] {strides = array<i32>} : memref<2048xf32, #tpu.memory_space<vmem>>, vector<16xf32>,
          %mul3A_105 = arith.mulf %max3A, %get3A_104 : vector<16xf32>
          %add3A_106 = arith.addf %scan3A_89, %mul3A_105 : vector<16xf32>
          %add3A_107 = arith.constant 64 : i32
          %add3A_108 = vector.broadcast %add3A_107 : i32 to vector<16xi32>
          %add3A_109 = arith.addi %add3A_96, %add3A_108 : vector<16xi32>
          %gather3A_110 = tpu.vector_load_idx %arg12[%add3A_66, %add3A_109] : memref<96x128xf32, #tpu.memory_space<vmem>>[vector<16xi32>, vector<16xi32>], vector<16xf32>,
          %gather3A_111 = tpu.vector_load_idx %arg13[%add3A_66, %add3A_109] : memref<96x128xf32, #tpu.memory_space<vmem>>[vector<16xi32>, vector<16xi32>], vector<16xf32>,
          %add3A_112 = arith.addf %gather3A_110, %gather3A_111 : vector<16xf32>
          %mul3A_113 = arith.constant 2.000000e-01 : f32
          %mul3A_114 = vector.broadcast %mul3A_113 : f32 to vector<16xf32>
          %mul3A_115 = arith.mulf %mul3A_114, %add3A_112 : vector<16xf32>
          %max3A_116 = arith.maximumf %add3A_112, %mul3A_115 : vector<16xf32>
          %add3A_117 = arith.constant 64 : i32
          %add3A_118 = arith.addi %add3A_94, %add3A_117 : i32
          %mul3A_119 = arith.constant 16 : i32
          %mul3A_120 = arith.muli %add3A_118, %mul3A_119 : i32
          %get3A_121 = arith.index_cast %mul3A_120 : i32 to index
          %get3A_122 = tpu.vector_load %arg15[%get3A_121] {strides = array<i32>} : memref<2048xf32, #tpu.memory_space<vmem>>, vector<16xf32>,
          %mul3A_123 = arith.mulf %max3A_116, %get3A_122 : vector<16xf32>
          %add3A_124 = arith.addf %scan3A_90, %mul3A_123 : vector<16xf32>
          %scan3A_125 = arith.constant 1 : i32
          %scan3A_126 = arith.addi %scan3A_88, %scan3A_125 : i32
          %mul3A_127 = arith.constant 1 : i32
          %mul3A_128 = arith.muli %scan3A_126, %mul3A_127 : i32
          %add3A_129 = arith.constant 0 : i32
          %add3A_130 = arith.addi %add3A_129, %mul3A_128 : i32
          %add3A_131 = vector.broadcast %add3A_130 : i32 to vector<16xi32>
          %add3A_132 = arith.addi %broadcast_in_dim3A_67, %add3A_131 : vector<16xi32>
          %gather3A_133 = tpu.vector_load_idx %arg12[%add3A_66, %add3A_132] : memref<96x128xf32, #tpu.memory_space<vmem>>[vector<16xi32>, vector<16xi32>], vector<16xf32>,
          %gather3A_134 = tpu.vector_load_idx %arg13[%add3A_66, %add3A_132] : memref<96x128xf32, #tpu.memory_space<vmem>>[vector<16xi32>, vector<16xi32>], vector<16xf32>,
          %add3A_135 = arith.addf %gather3A_133, %gather3A_134 : vector<16xf32>
          %mul3A_136 = arith.constant 2.000000e-01 : f32
          %mul3A_137 = vector.broadcast %mul3A_136 : f32 to vector<16xf32>
          %mul3A_138 = arith.mulf %mul3A_137, %add3A_135 : vector<16xf32>
          %max3A_139 = arith.maximumf %add3A_135, %mul3A_138 : vector<16xf32>
          %mul3A_140 = arith.constant 16 : i32
          %mul3A_141 = arith.muli %add3A_130, %mul3A_140 : i32
          %get3A_142 = arith.index_cast %mul3A_141 : i32 to index
          %get3A_143 = tpu.vector_load %arg15[%get3A_142] {strides = array<i32>} : memref<2048xf32, #tpu.memory_space<vmem>>, vector<16xf32>,
          %mul3A_144 = arith.mulf %max3A_139, %get3A_143 : vector<16xf32>
          %add3A_145 = arith.addf %add3A_106, %mul3A_144 : vector<16xf32>
          %add3A_146 = arith.constant 64 : i32
          %add3A_147 = vector.broadcast %add3A_146 : i32 to vector<16xi32>
          %add3A_148 = arith.addi %add3A_132, %add3A_147 : vector<16xi32>
          %gather3A_149 = tpu.vector_load_idx %arg12[%add3A_66, %add3A_148] : memref<96x128xf32, #tpu.memory_space<vmem>>[vector<16xi32>, vector<16xi32>], vector<16xf32>,
          %gather3A_150 = tpu.vector_load_idx %arg13[%add3A_66, %add3A_148] : memref<96x128xf32, #tpu.memory_space<vmem>>[vector<16xi32>, vector<16xi32>], vector<16xf32>,
          %add3A_151 = arith.addf %gather3A_149, %gather3A_150 : vector<16xf32>
          %mul3A_152 = arith.constant 2.000000e-01 : f32
          %mul3A_153 = vector.broadcast %mul3A_152 : f32 to vector<16xf32>
          %mul3A_154 = arith.mulf %mul3A_153, %add3A_151 : vector<16xf32>
          %max3A_155 = arith.maximumf %add3A_151, %mul3A_154 : vector<16xf32>
          %add3A_156 = arith.constant 64 : i32
          %add3A_157 = arith.addi %add3A_130, %add3A_156 : i32
          %mul3A_158 = arith.constant 16 : i32
          %mul3A_159 = arith.muli %add3A_157, %mul3A_158 : i32
          %get3A_160 = arith.index_cast %mul3A_159 : i32 to index
          %get3A_161 = tpu.vector_load %arg15[%get3A_160] {strides = array<i32>} : memref<2048xf32, #tpu.memory_space<vmem>>, vector<16xf32>,
          %mul3A_162 = arith.mulf %max3A_155, %get3A_161 : vector<16xf32>
          %add3A_163 = arith.addf %add3A_124, %mul3A_162 : vector<16xf32>
          %scan3A_164 = arith.constant 2 : i32
          %scan3A_165 = arith.addi %scan3A_88, %scan3A_164 : i32
          %mul3A_166 = arith.constant 1 : i32
          %mul3A_167 = arith.muli %scan3A_165, %mul3A_166 : i32
          %add3A_168 = arith.constant 0 : i32
          %add3A_169 = arith.addi %add3A_168, %mul3A_167 : i32
          %add3A_170 = vector.broadcast %add3A_169 : i32 to vector<16xi32>
          %add3A_171 = arith.addi %broadcast_in_dim3A_67, %add3A_170 : vector<16xi32>
          %gather3A_172 = tpu.vector_load_idx %arg12[%add3A_66, %add3A_171] : memref<96x128xf32, #tpu.memory_space<vmem>>[vector<16xi32>, vector<16xi32>], vector<16xf32>,
          %gather3A_173 = tpu.vector_load_idx %arg13[%add3A_66, %add3A_171] : memref<96x128xf32, #tpu.memory_space<vmem>>[vector<16xi32>, vector<16xi32>], vector<16xf32>,
          %add3A_174 = arith.addf %gather3A_172, %gather3A_173 : vector<16xf32>
          %mul3A_175 = arith.constant 2.000000e-01 : f32
          %mul3A_176 = vector.broadcast %mul3A_175 : f32 to vector<16xf32>
          %mul3A_177 = arith.mulf %mul3A_176, %add3A_174 : vector<16xf32>
          %max3A_178 = arith.maximumf %add3A_174, %mul3A_177 : vector<16xf32>
          %mul3A_179 = arith.constant 16 : i32
          %mul3A_180 = arith.muli %add3A_169, %mul3A_179 : i32
          %get3A_181 = arith.index_cast %mul3A_180 : i32 to index
          %get3A_182 = tpu.vector_load %arg15[%get3A_181] {strides = array<i32>} : memref<2048xf32, #tpu.memory_space<vmem>>, vector<16xf32>,
          %mul3A_183 = arith.mulf %max3A_178, %get3A_182 : vector<16xf32>
          %add3A_184 = arith.addf %add3A_145, %mul3A_183 : vector<16xf32>
          %add3A_185 = arith.constant 64 : i32
          %add3A_186 = vector.broadcast %add3A_185 : i32 to vector<16xi32>
          %add3A_187 = arith.addi %add3A_171, %add3A_186 : vector<16xi32>
          %gather3A_188 = tpu.vector_load_idx %arg12[%add3A_66, %add3A_187] : memref<96x128xf32, #tpu.memory_space<vmem>>[vector<16xi32>, vector<16xi32>], vector<16xf32>,
          %gather3A_189 = tpu.vector_load_idx %arg13[%add3A_66, %add3A_187] : memref<96x128xf32, #tpu.memory_space<vmem>>[vector<16xi32>, vector<16xi32>], vector<16xf32>,
          %add3A_190 = arith.addf %gather3A_188, %gather3A_189 : vector<16xf32>
          %mul3A_191 = arith.constant 2.000000e-01 : f32
          %mul3A_192 = vector.broadcast %mul3A_191 : f32 to vector<16xf32>
          %mul3A_193 = arith.mulf %mul3A_192, %add3A_190 : vector<16xf32>
          %max3A_194 = arith.maximumf %add3A_190, %mul3A_193 : vector<16xf32>
          %add3A_195 = arith.constant 64 : i32
          %add3A_196 = arith.addi %add3A_169, %add3A_195 : i32
          %mul3A_197 = arith.constant 16 : i32
          %mul3A_198 = arith.muli %add3A_196, %mul3A_197 : i32
          %get3A_199 = arith.index_cast %mul3A_198 : i32 to index
          %get3A_200 = tpu.vector_load %arg15[%get3A_199] {strides = array<i32>} : memref<2048xf32, #tpu.memory_space<vmem>>, vector<16xf32>,
          %mul3A_201 = arith.mulf %max3A_194, %get3A_200 : vector<16xf32>
          %add3A_202 = arith.addf %add3A_163, %mul3A_201 : vector<16xf32>
          %scan3A_203 = arith.constant 3 : i32
          %scan3A_204 = arith.addi %scan3A_88, %scan3A_203 : i32
          %mul3A_205 = arith.constant 1 : i32
          %mul3A_206 = arith.muli %scan3A_204, %mul3A_205 : i32
          %add3A_207 = arith.constant 0 : i32
          %add3A_208 = arith.addi %add3A_207, %mul3A_206 : i32
          %add3A_209 = vector.broadcast %add3A_208 : i32 to vector<16xi32>
          %add3A_210 = arith.addi %broadcast_in_dim3A_67, %add3A_209 : vector<16xi32>
          %gather3A_211 = tpu.vector_load_idx %arg12[%add3A_66, %add3A_210] : memref<96x128xf32, #tpu.memory_space<vmem>>[vector<16xi32>, vector<16xi32>], vector<16xf32>,
          %gather3A_212 = tpu.vector_load_idx %arg13[%add3A_66, %add3A_210] : memref<96x128xf32, #tpu.memory_space<vmem>>[vector<16xi32>, vector<16xi32>], vector<16xf32>,
          %add3A_213 = arith.addf %gather3A_211, %gather3A_212 : vector<16xf32>
          %mul3A_214 = arith.constant 2.000000e-01 : f32
          %mul3A_215 = vector.broadcast %mul3A_214 : f32 to vector<16xf32>
          %mul3A_216 = arith.mulf %mul3A_215, %add3A_213 : vector<16xf32>
          %max3A_217 = arith.maximumf %add3A_213, %mul3A_216 : vector<16xf32>
          %mul3A_218 = arith.constant 16 : i32
          %mul3A_219 = arith.muli %add3A_208, %mul3A_218 : i32
          %get3A_220 = arith.index_cast %mul3A_219 : i32 to index
          %get3A_221 = tpu.vector_load %arg15[%get3A_220] {strides = array<i32>} : memref<2048xf32, #tpu.memory_space<vmem>>, vector<16xf32>,
          %mul3A_222 = arith.mulf %max3A_217, %get3A_221 : vector<16xf32>
          %add3A_223 = arith.addf %add3A_184, %mul3A_222 : vector<16xf32>
          %add3A_224 = arith.constant 64 : i32
          %add3A_225 = vector.broadcast %add3A_224 : i32 to vector<16xi32>
          %add3A_226 = arith.addi %add3A_210, %add3A_225 : vector<16xi32>
          %gather3A_227 = tpu.vector_load_idx %arg12[%add3A_66, %add3A_226] : memref<96x128xf32, #tpu.memory_space<vmem>>[vector<16xi32>, vector<16xi32>], vector<16xf32>,
          %gather3A_228 = tpu.vector_load_idx %arg13[%add3A_66, %add3A_226] : memref<96x128xf32, #tpu.memory_space<vmem>>[vector<16xi32>, vector<16xi32>], vector<16xf32>,
          %add3A_229 = arith.addf %gather3A_227, %gather3A_228 : vector<16xf32>
          %mul3A_230 = arith.constant 2.000000e-01 : f32
          %mul3A_231 = vector.broadcast %mul3A_230 : f32 to vector<16xf32>
          %mul3A_232 = arith.mulf %mul3A_231, %add3A_229 : vector<16xf32>
          %max3A_233 = arith.maximumf %add3A_229, %mul3A_232 : vector<16xf32>
          %add3A_234 = arith.constant 64 : i32
          %add3A_235 = arith.addi %add3A_208, %add3A_234 : i32
          %mul3A_236 = arith.constant 16 : i32
          %mul3A_237 = arith.muli %add3A_235, %mul3A_236 : i32
          %get3A_238 = arith.index_cast %mul3A_237 : i32 to index
          %get3A_239 = tpu.vector_load %arg15[%get3A_238] {strides = array<i32>} : memref<2048xf32, #tpu.memory_space<vmem>>, vector<16xf32>,
          %mul3A_240 = arith.mulf %max3A_233, %get3A_239 : vector<16xf32>
          %add3A_241 = arith.addf %add3A_202, %mul3A_240 : vector<16xf32>
          scf.yield %add3A_223, %add3A_241 : vector<16xf32>, vector<16xf32>
        }
        %scan3A_75 = arith.constant 64 : i32
        %exp3A = math.exp %scan3A_74#0 : vector<16xf32>
        %exp3A_76 = math.exp %scan3A_74#1 : vector<16xf32>
        %scan3A_77 = arith.constant 0 : i32
        %scan3A_78 = arith.constant 64 : i32
        %scan3A_79 = arith.addi %scan3A_77, %scan3A_78 : i32
        %scan3A_80 = arith.constant 4 : i32
        scf.for %scan3A_88 = %scan3A_77 to %scan3A_79 step %scan3A_80  : i32 {
          %mul3A_89 = arith.constant 1 : i32
          %mul3A_90 = arith.muli %scan3A_88, %mul3A_89 : i32
          %add3A_91 = arith.constant 0 : i32
          %add3A_92 = arith.addi %add3A_91, %mul3A_90 : i32
          %add3A_93 = vector.broadcast %add3A_92 : i32 to vector<16xi32>
          %add3A_94 = arith.addi %broadcast_in_dim3A_67, %add3A_93 : vector<16xi32>
          %gather3A = tpu.vector_load_idx %arg12[%add3A_66, %add3A_94] : memref<96x128xf32, #tpu.memory_space<vmem>>[vector<16xi32>, vector<16xi32>], vector<16xf32>,
          %mul3A_95 = arith.mulf %gather3A, %exp3A : vector<16xf32>
          tpu.vector_store_idx %arg14[%add3A_66, %add3A_94], %mul3A_95 : memref<96x136xf32, #tpu.memory_space<vmem>>[vector<16xi32>, vector<16xi32>], vector<16xf32>,
          %add3A_96 = arith.constant 64 : i32
          %add3A_97 = vector.broadcast %add3A_96 : i32 to vector<16xi32>
          %add3A_98 = arith.addi %add3A_94, %add3A_97 : vector<16xi32>
          %gather3A_99 = tpu.vector_load_idx %arg12[%add3A_66, %add3A_98] : memref<96x128xf32, #tpu.memory_space<vmem>>[vector<16xi32>, vector<16xi32>], vector<16xf32>,
          %mul3A_100 = arith.mulf %gather3A_99, %exp3A_76 : vector<16xf32>
          tpu.vector_store_idx %arg14[%add3A_66, %add3A_98], %mul3A_100 : memref<96x136xf32, #tpu.memory_space<vmem>>[vector<16xi32>, vector<16xi32>], vector<16xf32>,
          %scan3A_101 = arith.constant 1 : i32
          %scan3A_102 = arith.addi %scan3A_88, %scan3A_101 : i32
          %mul3A_103 = arith.constant 1 : i32
          %mul3A_104 = arith.muli %scan3A_102, %mul3A_103 : i32
          %add3A_105 = arith.constant 0 : i32
          %add3A_106 = arith.addi %add3A_105, %mul3A_104 : i32
          %add3A_107 = vector.broadcast %add3A_106 : i32 to vector<16xi32>
          %add3A_108 = arith.addi %broadcast_in_dim3A_67, %add3A_107 : vector<16xi32>
          %gather3A_109 = tpu.vector_load_idx %arg12[%add3A_66, %add3A_108] : memref<96x128xf32, #tpu.memory_space<vmem>>[vector<16xi32>, vector<16xi32>], vector<16xf32>,
          %mul3A_110 = arith.mulf %gather3A_109, %exp3A : vector<16xf32>
          tpu.vector_store_idx %arg14[%add3A_66, %add3A_108], %mul3A_110 : memref<96x136xf32, #tpu.memory_space<vmem>>[vector<16xi32>, vector<16xi32>], vector<16xf32>,
          %add3A_111 = arith.constant 64 : i32
          %add3A_112 = vector.broadcast %add3A_111 : i32 to vector<16xi32>
          %add3A_113 = arith.addi %add3A_108, %add3A_112 : vector<16xi32>
          %gather3A_114 = tpu.vector_load_idx %arg12[%add3A_66, %add3A_113] : memref<96x128xf32, #tpu.memory_space<vmem>>[vector<16xi32>, vector<16xi32>], vector<16xf32>,
          %mul3A_115 = arith.mulf %gather3A_114, %exp3A_76 : vector<16xf32>
          tpu.vector_store_idx %arg14[%add3A_66, %add3A_113], %mul3A_115 : memref<96x136xf32, #tpu.memory_space<vmem>>[vector<16xi32>, vector<16xi32>], vector<16xf32>,
          %scan3A_116 = arith.constant 2 : i32
          %scan3A_117 = arith.addi %scan3A_88, %scan3A_116 : i32
          %mul3A_118 = arith.constant 1 : i32
          %mul3A_119 = arith.muli %scan3A_117, %mul3A_118 : i32
          %add3A_120 = arith.constant 0 : i32
          %add3A_121 = arith.addi %add3A_120, %mul3A_119 : i32
          %add3A_122 = vector.broadcast %add3A_121 : i32 to vector<16xi32>
          %add3A_123 = arith.addi %broadcast_in_dim3A_67, %add3A_122 : vector<16xi32>
          %gather3A_124 = tpu.vector_load_idx %arg12[%add3A_66, %add3A_123] : memref<96x128xf32, #tpu.memory_space<vmem>>[vector<16xi32>, vector<16xi32>], vector<16xf32>,
          %mul3A_125 = arith.mulf %gather3A_124, %exp3A : vector<16xf32>
          tpu.vector_store_idx %arg14[%add3A_66, %add3A_123], %mul3A_125 : memref<96x136xf32, #tpu.memory_space<vmem>>[vector<16xi32>, vector<16xi32>], vector<16xf32>,
          %add3A_126 = arith.constant 64 : i32
          %add3A_127 = vector.broadcast %add3A_126 : i32 to vector<16xi32>
          %add3A_128 = arith.addi %add3A_123, %add3A_127 : vector<16xi32>
          %gather3A_129 = tpu.vector_load_idx %arg12[%add3A_66, %add3A_128] : memref<96x128xf32, #tpu.memory_space<vmem>>[vector<16xi32>, vector<16xi32>], vector<16xf32>,
          %mul3A_130 = arith.mulf %gather3A_129, %exp3A_76 : vector<16xf32>
          tpu.vector_store_idx %arg14[%add3A_66, %add3A_128], %mul3A_130 : memref<96x136xf32, #tpu.memory_space<vmem>>[vector<16xi32>, vector<16xi32>], vector<16xf32>,
          %scan3A_131 = arith.constant 3 : i32
          %scan3A_132 = arith.addi %scan3A_88, %scan3A_131 : i32
          %mul3A_133 = arith.constant 1 : i32
          %mul3A_134 = arith.muli %scan3A_132, %mul3A_133 : i32
          %add3A_135 = arith.constant 0 : i32
          %add3A_136 = arith.addi %add3A_135, %mul3A_134 : i32
          %add3A_137 = vector.broadcast %add3A_136 : i32 to vector<16xi32>
          %add3A_138 = arith.addi %broadcast_in_dim3A_67, %add3A_137 : vector<16xi32>
          %gather3A_139 = tpu.vector_load_idx %arg12[%add3A_66, %add3A_138] : memref<96x128xf32, #tpu.memory_space<vmem>>[vector<16xi32>, vector<16xi32>], vector<16xf32>,
          %mul3A_140 = arith.mulf %gather3A_139, %exp3A : vector<16xf32>
          tpu.vector_store_idx %arg14[%add3A_66, %add3A_138], %mul3A_140 : memref<96x136xf32, #tpu.memory_space<vmem>>[vector<16xi32>, vector<16xi32>], vector<16xf32>,
          %add3A_141 = arith.constant 64 : i32
          %add3A_142 = vector.broadcast %add3A_141 : i32 to vector<16xi32>
          %add3A_143 = arith.addi %add3A_138, %add3A_142 : vector<16xi32>
          %gather3A_144 = tpu.vector_load_idx %arg12[%add3A_66, %add3A_143] : memref<96x128xf32, #tpu.memory_space<vmem>>[vector<16xi32>, vector<16xi32>], vector<16xf32>,
          %mul3A_145 = arith.mulf %gather3A_144, %exp3A_76 : vector<16xf32>
          tpu.vector_store_idx %arg14[%add3A_66, %add3A_143], %mul3A_145 : memref<96x136xf32, #tpu.memory_space<vmem>>[vector<16xi32>, vector<16xi32>], vector<16xf32>,
        }
        %scan3A_81 = arith.constant 64 : i32
        %add3A_82 = arith.constant 128 : i32
        %add3A_83 = vector.broadcast %add3A_82 : i32 to vector<16xi32>
        %add3A_84 = arith.addi %broadcast_in_dim3A_67, %add3A_83 : vector<16xi32>
        tpu.vector_store_idx %arg14[%add3A_66, %add3A_84], %exp3A : memref<96x136xf32, #tpu.memory_space<vmem>>[vector<16xi32>, vector<16xi32>], vector<16xf32>,
        %add3A_85 = arith.constant 129 : i32
        %add3A_86 = vector.broadcast %add3A_85 : i32 to vector<16xi32>
        %add3A_87 = arith.addi %broadcast_in_dim3A_67, %add3A_86 : vector<16xi32>
        tpu.vector_store_idx %arg14[%add3A_66, %add3A_87], %exp3A_76 : memref<96x136xf32, #tpu.memory_space<vmem>>[vector<16xi32>, vector<16xi32>], vector<16xf32>,
      }
      %scan3A_57 = arith.constant 6 : i32
      "tpu.region"() ({
        %run_scoped3A = tpu.sem_alloc : memref<!tpu.dma_semaphore, #tpu.memory_space<semaphore_mem>>
        %dma_start3A_58 = arith.constant 0 : i32
        %dma_start3A_59 = arith.constant 0 : i32
        %dma_start3A_60 = tpu.memref_slice %arg16[%dma_start3A_58, %dma_start3A_59] : memref<10016x136xf32, #tpu.memory_space<vmem_shared>> -> memref<10016x136xf32, #tpu.memory_space<vmem_shared>>
        tpu.enqueue_indirect_dma source(%arg14 : memref<96x136xf32, #tpu.memory_space<vmem>>) target(%dma_start3A_60 : memref<10016x136xf32, #tpu.memory_space<vmem_shared>>) offsets(%arg11 : memref<96xi32, #tpu.memory_space<vmem>>) semaphore(%run_scoped3A : memref<!tpu.dma_semaphore, #tpu.memory_space<semaphore_mem>>) {add = true}
        %dma_wait3A_61 = arith.constant 0 : i32
        %dma_wait3A_62 = arith.constant 0 : i32
        %dma_wait3A_63 = tpu.memref_slice %arg16[%dma_wait3A_61, %dma_wait3A_62] : memref<10016x136xf32, #tpu.memory_space<vmem_shared>> -> memref<10016x136xf32, #tpu.memory_space<vmem_shared>>
        tpu.wait_indirect_dma semaphore(%run_scoped3A : memref<!tpu.dma_semaphore, #tpu.memory_space<semaphore_mem>>) src(%arg14 : memref<96x136xf32, #tpu.memory_space<vmem>>) dst(%dma_wait3A_63 : memref<10016x136xf32, #tpu.memory_space<vmem_shared>>)
        tpu.yield
      }) : () -> ()
    }
    %scan3A_21 = arith.constant 112 : i32
    %barrier3A_22 = arith.constant 0 : index
    tpu.barrier barrier_id(%barrier3A_22)
    %mul3A_23 = arith.constant 626 : i32
    %mul3A_24 = arith.muli %arg1, %mul3A_23 : i32
    %mul3A_25 = arith.constant 10016 : i32
    %mul3A_26 = arith.muli %arg0, %mul3A_25 : i32
    %mul3A_27 = arith.constant 626 : i32
    %mul3A_28 = arith.muli %arg1, %mul3A_27 : i32
    %add3A_29 = arith.addi %mul3A_26, %mul3A_28 : i32
    "tpu.region"() ({
      %run_scoped3A = tpu.sem_alloc : memref<!tpu.dma_semaphore, #tpu.memory_space<semaphore_mem>>
      %dma_start3A = arith.constant 0 : i32
      %dma_start3A_30 = tpu.memref_slice %arg8[%add3A_29, %dma_start3A] : memref<20032x136xf32, #tpu.memory_space<hbm>> -> memref<626x136xf32, #tpu.memory_space<hbm>>
      %dma_start3A_31 = arith.constant 0 : i32
      %dma_start3A_32 = tpu.memref_slice %arg16[%mul3A_24, %dma_start3A_31] : memref<10016x136xf32, #tpu.memory_space<vmem_shared>> -> memref<626x136xf32, #tpu.memory_space<vmem_shared>>
      tpu.enqueue_dma source(%dma_start3A_32 : memref<626x136xf32, #tpu.memory_space<vmem_shared>>) target(%dma_start3A_30 : memref<626x136xf32, #tpu.memory_space<hbm>>) target_semaphore(%run_scoped3A : memref<!tpu.dma_semaphore, #tpu.memory_space<semaphore_mem>>)
      %dma_wait3A = arith.constant 0 : i32
      %dma_wait3A_33 = tpu.memref_slice %arg8[%add3A_29, %dma_wait3A] : memref<20032x136xf32, #tpu.memory_space<hbm>> -> memref<626x136xf32, #tpu.memory_space<hbm>>
      %dma_wait3A_34 = arith.constant 0 : i32
      %dma_wait3A_35 = tpu.memref_slice %arg16[%mul3A_24, %dma_wait3A_34] : memref<10016x136xf32, #tpu.memory_space<vmem_shared>> -> memref<626x136xf32, #tpu.memory_space<vmem_shared>>
      tpu.wait_dma2 semaphore(%run_scoped3A : memref<!tpu.dma_semaphore, #tpu.memory_space<semaphore_mem>>) src(%dma_wait3A_35 : memref<626x136xf32, #tpu.memory_space<vmem_shared>>) dst(%dma_wait3A_33 : memref<626x136xf32, #tpu.memory_space<hbm>>)
      tpu.yield
    }) : () -> ()
    return
  }
}

#map = affine_map<(d0, d1) -> (0)>
#map1 = affine_map<(d0, d1) -> (0, 0)>
module attributes {stable_mosaic.version = 14 : i64} {
  func.func @_edge2(%arg0: i32, %arg1: i32, %arg2: memref<172032xi32, #tpu.memory_space<hbm>>, %arg3: memref<172032xi32, #tpu.memory_space<hbm>>, %arg4: memref<10016x64xf32, #tpu.memory_space<hbm>>, %arg5: memref<10016x64xf32, #tpu.memory_space<hbm>>, %arg6: memref<1024xf32, #tpu.memory_space<hbm>>, %arg7: memref<128x72xf32, #tpu.memory_space<hbm>>, %arg8: memref<20032x72xf32, #tpu.memory_space<hbm>>, %arg9: memref<128xi32, #tpu.memory_space<vmem>>, %arg10: memref<128xi32, #tpu.memory_space<vmem>>, %arg11: memref<128x64xf32, #tpu.memory_space<vmem>>, %arg12: memref<128x64xf32, #tpu.memory_space<vmem>>, %arg13: memref<128x72xf32, #tpu.memory_space<vmem>>, %arg14: memref<1024xf32, #tpu.memory_space<vmem>>, %arg15: memref<10016x72xf32, #tpu.memory_space<vmem_shared>>, %arg16: memref<!tpu.dma_semaphore, #tpu.memory_space<semaphore_mem>>, %arg17: memref<!tpu.dma_semaphore, #tpu.memory_space<semaphore_mem>>) attributes {dimension_semantics = [#tpu.dimension_semantics<core_parallel>, #tpu.dimension_semantics<subcore_parallel>], iteration_bounds = array<i64: 2, 16>, scalar_prefetch = 0 : i64, scratch_operands = 9 : i64, tpu.core_type = #tpu.core_type<sc_vector_subcore>, window_params = [{transform_indices = #map}, {transform_indices = #map}, {transform_indices = #map1}, {transform_indices = #map1}, {transform_indices = #map}, {transform_indices = #map1}, {transform_indices = #map1}]} {
    %iota3A = tpu.iota {dimensions = array<i32: 0>} : vector<16xi32>
    "tpu.region"() ({
      %run_scoped3A = tpu.sem_alloc : memref<!tpu.dma_semaphore, #tpu.memory_space<semaphore_mem>>
      tpu.enqueue_dma source(%arg6 : memref<1024xf32, #tpu.memory_space<hbm>>) target(%arg14 : memref<1024xf32, #tpu.memory_space<vmem>>) target_semaphore(%run_scoped3A : memref<!tpu.dma_semaphore, #tpu.memory_space<semaphore_mem>>)
      tpu.wait_dma2 semaphore(%run_scoped3A : memref<!tpu.dma_semaphore, #tpu.memory_space<semaphore_mem>>) src(%arg6 : memref<1024xf32, #tpu.memory_space<hbm>>) dst(%arg14 : memref<1024xf32, #tpu.memory_space<vmem>>)
      tpu.yield
    }) : () -> ()
    "tpu.region"() ({
      %run_scoped3A = tpu.sem_alloc : memref<!tpu.dma_semaphore, #tpu.memory_space<semaphore_mem>>
      tpu.enqueue_dma source(%arg7 : memref<128x72xf32, #tpu.memory_space<hbm>>) target(%arg13 : memref<128x72xf32, #tpu.memory_space<vmem>>) target_semaphore(%run_scoped3A : memref<!tpu.dma_semaphore, #tpu.memory_space<semaphore_mem>>)
      tpu.wait_dma2 semaphore(%run_scoped3A : memref<!tpu.dma_semaphore, #tpu.memory_space<semaphore_mem>>) src(%arg7 : memref<128x72xf32, #tpu.memory_space<hbm>>) dst(%arg13 : memref<128x72xf32, #tpu.memory_space<vmem>>)
      tpu.yield
    }) : () -> ()
    %mul3A = arith.constant 626 : i32
    %mul3A_0 = arith.muli %arg1, %mul3A : i32
    %add3A = arith.constant 0 : i32
    %add3A_1 = arith.addi %mul3A_0, %add3A : i32
    "tpu.region"() ({
      %run_scoped3A = tpu.sem_alloc : memref<!tpu.dma_semaphore, #tpu.memory_space<semaphore_mem>>
      %dma_start3A = arith.constant 0 : i32
      %dma_start3A_27 = tpu.memref_slice %arg15[%add3A_1, %dma_start3A] : memref<10016x72xf32, #tpu.memory_space<vmem_shared>> -> memref<128x72xf32, #tpu.memory_space<vmem_shared>>
      %dma_start3A_28 = arith.constant 0 : i32
      %dma_start3A_29 = tpu.memref_slice %arg15[%add3A_1, %dma_start3A_28] : memref<10016x72xf32, #tpu.memory_space<vmem_shared>> -> memref<128x72xf32, #tpu.memory_space<vmem_shared>>
      tpu.enqueue_dma source(%arg13 : memref<128x72xf32, #tpu.memory_space<vmem>>) target(%dma_start3A_29 : memref<128x72xf32, #tpu.memory_space<vmem_shared>>) target_semaphore(%run_scoped3A : memref<!tpu.dma_semaphore, #tpu.memory_space<semaphore_mem>>)
      %dma_wait3A = arith.constant 0 : i32
      %dma_wait3A_30 = tpu.memref_slice %arg15[%add3A_1, %dma_wait3A] : memref<10016x72xf32, #tpu.memory_space<vmem_shared>> -> memref<128x72xf32, #tpu.memory_space<vmem_shared>>
      %dma_wait3A_31 = arith.constant 0 : i32
      %dma_wait3A_32 = tpu.memref_slice %arg15[%add3A_1, %dma_wait3A_31] : memref<10016x72xf32, #tpu.memory_space<vmem_shared>> -> memref<128x72xf32, #tpu.memory_space<vmem_shared>>
      tpu.wait_dma2 semaphore(%run_scoped3A : memref<!tpu.dma_semaphore, #tpu.memory_space<semaphore_mem>>) src(%arg13 : memref<128x72xf32, #tpu.memory_space<vmem>>) dst(%dma_wait3A_32 : memref<128x72xf32, #tpu.memory_space<vmem_shared>>)
      tpu.yield
    }) : () -> ()
    %add3A_2 = arith.constant 128 : i32
    %add3A_3 = arith.addi %mul3A_0, %add3A_2 : i32
    "tpu.region"() ({
      %run_scoped3A = tpu.sem_alloc : memref<!tpu.dma_semaphore, #tpu.memory_space<semaphore_mem>>
      %dma_start3A = arith.constant 0 : i32
      %dma_start3A_27 = tpu.memref_slice %arg15[%add3A_3, %dma_start3A] : memref<10016x72xf32, #tpu.memory_space<vmem_shared>> -> memref<128x72xf32, #tpu.memory_space<vmem_shared>>
      %dma_start3A_28 = arith.constant 0 : i32
      %dma_start3A_29 = tpu.memref_slice %arg15[%add3A_3, %dma_start3A_28] : memref<10016x72xf32, #tpu.memory_space<vmem_shared>> -> memref<128x72xf32, #tpu.memory_space<vmem_shared>>
      tpu.enqueue_dma source(%arg13 : memref<128x72xf32, #tpu.memory_space<vmem>>) target(%dma_start3A_29 : memref<128x72xf32, #tpu.memory_space<vmem_shared>>) target_semaphore(%run_scoped3A : memref<!tpu.dma_semaphore, #tpu.memory_space<semaphore_mem>>)
      %dma_wait3A = arith.constant 0 : i32
      %dma_wait3A_30 = tpu.memref_slice %arg15[%add3A_3, %dma_wait3A] : memref<10016x72xf32, #tpu.memory_space<vmem_shared>> -> memref<128x72xf32, #tpu.memory_space<vmem_shared>>
      %dma_wait3A_31 = arith.constant 0 : i32
      %dma_wait3A_32 = tpu.memref_slice %arg15[%add3A_3, %dma_wait3A_31] : memref<10016x72xf32, #tpu.memory_space<vmem_shared>> -> memref<128x72xf32, #tpu.memory_space<vmem_shared>>
      tpu.wait_dma2 semaphore(%run_scoped3A : memref<!tpu.dma_semaphore, #tpu.memory_space<semaphore_mem>>) src(%arg13 : memref<128x72xf32, #tpu.memory_space<vmem>>) dst(%dma_wait3A_32 : memref<128x72xf32, #tpu.memory_space<vmem_shared>>)
      tpu.yield
    }) : () -> ()
    %add3A_4 = arith.constant 256 : i32
    %add3A_5 = arith.addi %mul3A_0, %add3A_4 : i32
    "tpu.region"() ({
      %run_scoped3A = tpu.sem_alloc : memref<!tpu.dma_semaphore, #tpu.memory_space<semaphore_mem>>
      %dma_start3A = arith.constant 0 : i32
      %dma_start3A_27 = tpu.memref_slice %arg15[%add3A_5, %dma_start3A] : memref<10016x72xf32, #tpu.memory_space<vmem_shared>> -> memref<128x72xf32, #tpu.memory_space<vmem_shared>>
      %dma_start3A_28 = arith.constant 0 : i32
      %dma_start3A_29 = tpu.memref_slice %arg15[%add3A_5, %dma_start3A_28] : memref<10016x72xf32, #tpu.memory_space<vmem_shared>> -> memref<128x72xf32, #tpu.memory_space<vmem_shared>>
      tpu.enqueue_dma source(%arg13 : memref<128x72xf32, #tpu.memory_space<vmem>>) target(%dma_start3A_29 : memref<128x72xf32, #tpu.memory_space<vmem_shared>>) target_semaphore(%run_scoped3A : memref<!tpu.dma_semaphore, #tpu.memory_space<semaphore_mem>>)
      %dma_wait3A = arith.constant 0 : i32
      %dma_wait3A_30 = tpu.memref_slice %arg15[%add3A_5, %dma_wait3A] : memref<10016x72xf32, #tpu.memory_space<vmem_shared>> -> memref<128x72xf32, #tpu.memory_space<vmem_shared>>
      %dma_wait3A_31 = arith.constant 0 : i32
      %dma_wait3A_32 = tpu.memref_slice %arg15[%add3A_5, %dma_wait3A_31] : memref<10016x72xf32, #tpu.memory_space<vmem_shared>> -> memref<128x72xf32, #tpu.memory_space<vmem_shared>>
      tpu.wait_dma2 semaphore(%run_scoped3A : memref<!tpu.dma_semaphore, #tpu.memory_space<semaphore_mem>>) src(%arg13 : memref<128x72xf32, #tpu.memory_space<vmem>>) dst(%dma_wait3A_32 : memref<128x72xf32, #tpu.memory_space<vmem_shared>>)
      tpu.yield
    }) : () -> ()
    %add3A_6 = arith.constant 384 : i32
    %add3A_7 = arith.addi %mul3A_0, %add3A_6 : i32
    "tpu.region"() ({
      %run_scoped3A = tpu.sem_alloc : memref<!tpu.dma_semaphore, #tpu.memory_space<semaphore_mem>>
      %dma_start3A = arith.constant 0 : i32
      %dma_start3A_27 = tpu.memref_slice %arg15[%add3A_7, %dma_start3A] : memref<10016x72xf32, #tpu.memory_space<vmem_shared>> -> memref<128x72xf32, #tpu.memory_space<vmem_shared>>
      %dma_start3A_28 = arith.constant 0 : i32
      %dma_start3A_29 = tpu.memref_slice %arg15[%add3A_7, %dma_start3A_28] : memref<10016x72xf32, #tpu.memory_space<vmem_shared>> -> memref<128x72xf32, #tpu.memory_space<vmem_shared>>
      tpu.enqueue_dma source(%arg13 : memref<128x72xf32, #tpu.memory_space<vmem>>) target(%dma_start3A_29 : memref<128x72xf32, #tpu.memory_space<vmem_shared>>) target_semaphore(%run_scoped3A : memref<!tpu.dma_semaphore, #tpu.memory_space<semaphore_mem>>)
      %dma_wait3A = arith.constant 0 : i32
      %dma_wait3A_30 = tpu.memref_slice %arg15[%add3A_7, %dma_wait3A] : memref<10016x72xf32, #tpu.memory_space<vmem_shared>> -> memref<128x72xf32, #tpu.memory_space<vmem_shared>>
      %dma_wait3A_31 = arith.constant 0 : i32
      %dma_wait3A_32 = tpu.memref_slice %arg15[%add3A_7, %dma_wait3A_31] : memref<10016x72xf32, #tpu.memory_space<vmem_shared>> -> memref<128x72xf32, #tpu.memory_space<vmem_shared>>
      tpu.wait_dma2 semaphore(%run_scoped3A : memref<!tpu.dma_semaphore, #tpu.memory_space<semaphore_mem>>) src(%arg13 : memref<128x72xf32, #tpu.memory_space<vmem>>) dst(%dma_wait3A_32 : memref<128x72xf32, #tpu.memory_space<vmem_shared>>)
      tpu.yield
    }) : () -> ()
    %add3A_8 = arith.constant 512 : i32
    %add3A_9 = arith.addi %mul3A_0, %add3A_8 : i32
    "tpu.region"() ({
      %run_scoped3A = tpu.sem_alloc : memref<!tpu.dma_semaphore, #tpu.memory_space<semaphore_mem>>
      %dma_start3A = arith.constant 0 : i32
      %dma_start3A_27 = arith.constant 0 : i32
      %dma_start3A_28 = tpu.memref_slice %arg13[%dma_start3A, %dma_start3A_27] : memref<128x72xf32, #tpu.memory_space<vmem>> -> memref<114x72xf32, #tpu.memory_space<vmem>>
      %dma_start3A_29 = arith.constant 0 : i32
      %dma_start3A_30 = tpu.memref_slice %arg15[%add3A_9, %dma_start3A_29] : memref<10016x72xf32, #tpu.memory_space<vmem_shared>> -> memref<114x72xf32, #tpu.memory_space<vmem_shared>>
      %dma_start3A_31 = arith.constant 0 : i32
      %dma_start3A_32 = tpu.memref_slice %arg15[%add3A_9, %dma_start3A_31] : memref<10016x72xf32, #tpu.memory_space<vmem_shared>> -> memref<114x72xf32, #tpu.memory_space<vmem_shared>>
      %dma_start3A_33 = arith.constant 0 : i32
      %dma_start3A_34 = arith.constant 0 : i32
      %dma_start3A_35 = tpu.memref_slice %arg13[%dma_start3A_33, %dma_start3A_34] : memref<128x72xf32, #tpu.memory_space<vmem>> -> memref<114x72xf32, #tpu.memory_space<vmem>>
      tpu.enqueue_dma source(%dma_start3A_35 : memref<114x72xf32, #tpu.memory_space<vmem>>) target(%dma_start3A_32 : memref<114x72xf32, #tpu.memory_space<vmem_shared>>) target_semaphore(%run_scoped3A : memref<!tpu.dma_semaphore, #tpu.memory_space<semaphore_mem>>)
      %dma_wait3A = arith.constant 0 : i32
      %dma_wait3A_36 = arith.constant 0 : i32
      %dma_wait3A_37 = tpu.memref_slice %arg13[%dma_wait3A, %dma_wait3A_36] : memref<128x72xf32, #tpu.memory_space<vmem>> -> memref<114x72xf32, #tpu.memory_space<vmem>>
      %dma_wait3A_38 = arith.constant 0 : i32
      %dma_wait3A_39 = tpu.memref_slice %arg15[%add3A_9, %dma_wait3A_38] : memref<10016x72xf32, #tpu.memory_space<vmem_shared>> -> memref<114x72xf32, #tpu.memory_space<vmem_shared>>
      %dma_wait3A_40 = arith.constant 0 : i32
      %dma_wait3A_41 = tpu.memref_slice %arg15[%add3A_9, %dma_wait3A_40] : memref<10016x72xf32, #tpu.memory_space<vmem_shared>> -> memref<114x72xf32, #tpu.memory_space<vmem_shared>>
      %dma_wait3A_42 = arith.constant 0 : i32
      %dma_wait3A_43 = arith.constant 0 : i32
      %dma_wait3A_44 = tpu.memref_slice %arg13[%dma_wait3A_42, %dma_wait3A_43] : memref<128x72xf32, #tpu.memory_space<vmem>> -> memref<114x72xf32, #tpu.memory_space<vmem>>
      tpu.wait_dma2 semaphore(%run_scoped3A : memref<!tpu.dma_semaphore, #tpu.memory_space<semaphore_mem>>) src(%dma_wait3A_44 : memref<114x72xf32, #tpu.memory_space<vmem>>) dst(%dma_wait3A_41 : memref<114x72xf32, #tpu.memory_space<vmem_shared>>)
      tpu.yield
    }) : () -> ()
    %barrier3A = arith.constant 0 : index
    tpu.barrier barrier_id(%barrier3A)
    %mul3A_10 = arith.constant 86016 : i32
    %mul3A_11 = arith.muli %arg0, %mul3A_10 : i32
    %mul3A_12 = arith.constant 5376 : i32
    %mul3A_13 = arith.muli %arg1, %mul3A_12 : i32
    %add3A_14 = arith.addi %mul3A_11, %mul3A_13 : i32
    %scan3A = arith.constant 0 : i32
    %scan3A_15 = arith.constant 42 : i32
    %scan3A_16 = arith.addi %scan3A, %scan3A_15 : i32
    %scan3A_17 = arith.constant 1 : i32
    scf.for %scan3A_27 = %scan3A to %scan3A_16 step %scan3A_17  : i32 {
      %mul3A_28 = arith.constant 1 : i32
      %mul3A_29 = arith.muli %scan3A_27, %mul3A_28 : i32
      %add3A_30 = arith.constant 0 : i32
      %add3A_31 = arith.addi %add3A_30, %mul3A_29 : i32
      %mul3A_32 = arith.constant 128 : i32
      %mul3A_33 = arith.muli %add3A_31, %mul3A_32 : i32
      %add3A_34 = arith.addi %add3A_14, %mul3A_33 : i32
      "tpu.region"() ({
        %run_scoped3A = tpu.sem_alloc : memref<!tpu.dma_semaphore, #tpu.memory_space<semaphore_mem>>
        %dma_start3A_50 = tpu.memref_slice %arg2[%add3A_34] : memref<172032xi32, #tpu.memory_space<hbm>> -> memref<128xi32, #tpu.memory_space<hbm>>
        %dma_start3A_51 = tpu.memref_slice %arg2[%add3A_34] : memref<172032xi32, #tpu.memory_space<hbm>> -> memref<128xi32, #tpu.memory_space<hbm>>
        tpu.enqueue_dma source(%dma_start3A_51 : memref<128xi32, #tpu.memory_space<hbm>>) target(%arg9 : memref<128xi32, #tpu.memory_space<vmem>>) target_semaphore(%run_scoped3A : memref<!tpu.dma_semaphore, #tpu.memory_space<semaphore_mem>>)
        %dma_wait3A_52 = tpu.memref_slice %arg2[%add3A_34] : memref<172032xi32, #tpu.memory_space<hbm>> -> memref<128xi32, #tpu.memory_space<hbm>>
        %dma_wait3A_53 = tpu.memref_slice %arg2[%add3A_34] : memref<172032xi32, #tpu.memory_space<hbm>> -> memref<128xi32, #tpu.memory_space<hbm>>
        tpu.wait_dma2 semaphore(%run_scoped3A : memref<!tpu.dma_semaphore, #tpu.memory_space<semaphore_mem>>) src(%dma_wait3A_53 : memref<128xi32, #tpu.memory_space<hbm>>) dst(%arg9 : memref<128xi32, #tpu.memory_space<vmem>>)
        tpu.yield
      }) : () -> ()
      "tpu.region"() ({
        %run_scoped3A = tpu.sem_alloc : memref<!tpu.dma_semaphore, #tpu.memory_space<semaphore_mem>>
        %dma_start3A_50 = tpu.memref_slice %arg3[%add3A_34] : memref<172032xi32, #tpu.memory_space<hbm>> -> memref<128xi32, #tpu.memory_space<hbm>>
        %dma_start3A_51 = tpu.memref_slice %arg3[%add3A_34] : memref<172032xi32, #tpu.memory_space<hbm>> -> memref<128xi32, #tpu.memory_space<hbm>>
        tpu.enqueue_dma source(%dma_start3A_51 : memref<128xi32, #tpu.memory_space<hbm>>) target(%arg10 : memref<128xi32, #tpu.memory_space<vmem>>) target_semaphore(%run_scoped3A : memref<!tpu.dma_semaphore, #tpu.memory_space<semaphore_mem>>)
        %dma_wait3A_52 = tpu.memref_slice %arg3[%add3A_34] : memref<172032xi32, #tpu.memory_space<hbm>> -> memref<128xi32, #tpu.memory_space<hbm>>
        %dma_wait3A_53 = tpu.memref_slice %arg3[%add3A_34] : memref<172032xi32, #tpu.memory_space<hbm>> -> memref<128xi32, #tpu.memory_space<hbm>>
        tpu.wait_dma2 semaphore(%run_scoped3A : memref<!tpu.dma_semaphore, #tpu.memory_space<semaphore_mem>>) src(%dma_wait3A_53 : memref<128xi32, #tpu.memory_space<hbm>>) dst(%arg10 : memref<128xi32, #tpu.memory_space<vmem>>)
        tpu.yield
      }) : () -> ()
      %dma_start3A = arith.constant 0 : i32
      %dma_start3A_35 = arith.constant 0 : i32
      %dma_start3A_36 = tpu.memref_slice %arg4[%dma_start3A, %dma_start3A_35] : memref<10016x64xf32, #tpu.memory_space<hbm>> -> memref<10016x64xf32, #tpu.memory_space<hbm>>
      tpu.enqueue_indirect_dma source(%dma_start3A_36 : memref<10016x64xf32, #tpu.memory_space<hbm>>) target(%arg11 : memref<128x64xf32, #tpu.memory_space<vmem>>) offsets(%arg9 : memref<128xi32, #tpu.memory_space<vmem>>) semaphore(%arg16 : memref<!tpu.dma_semaphore, #tpu.memory_space<semaphore_mem>>)
      %dma_start3A_37 = arith.constant 0 : i32
      %dma_start3A_38 = arith.constant 0 : i32
      %dma_start3A_39 = tpu.memref_slice %arg5[%dma_start3A_37, %dma_start3A_38] : memref<10016x64xf32, #tpu.memory_space<hbm>> -> memref<10016x64xf32, #tpu.memory_space<hbm>>
      tpu.enqueue_indirect_dma source(%dma_start3A_39 : memref<10016x64xf32, #tpu.memory_space<hbm>>) target(%arg12 : memref<128x64xf32, #tpu.memory_space<vmem>>) offsets(%arg10 : memref<128xi32, #tpu.memory_space<vmem>>) semaphore(%arg17 : memref<!tpu.dma_semaphore, #tpu.memory_space<semaphore_mem>>)
      %dma_wait3A = arith.constant 0 : i32
      %dma_wait3A_40 = arith.constant 0 : i32
      %dma_wait3A_41 = tpu.memref_slice %arg4[%dma_wait3A, %dma_wait3A_40] : memref<10016x64xf32, #tpu.memory_space<hbm>> -> memref<10016x64xf32, #tpu.memory_space<hbm>>
      tpu.wait_indirect_dma semaphore(%arg16 : memref<!tpu.dma_semaphore, #tpu.memory_space<semaphore_mem>>) src(%dma_wait3A_41 : memref<10016x64xf32, #tpu.memory_space<hbm>>) dst(%arg11 : memref<128x64xf32, #tpu.memory_space<vmem>>)
      %dma_wait3A_42 = arith.constant 0 : i32
      %dma_wait3A_43 = arith.constant 0 : i32
      %dma_wait3A_44 = tpu.memref_slice %arg5[%dma_wait3A_42, %dma_wait3A_43] : memref<10016x64xf32, #tpu.memory_space<hbm>> -> memref<10016x64xf32, #tpu.memory_space<hbm>>
      tpu.wait_indirect_dma semaphore(%arg17 : memref<!tpu.dma_semaphore, #tpu.memory_space<semaphore_mem>>) src(%dma_wait3A_44 : memref<10016x64xf32, #tpu.memory_space<hbm>>) dst(%arg12 : memref<128x64xf32, #tpu.memory_space<vmem>>)
      %scan3A_45 = arith.constant 0 : i32
      %scan3A_46 = arith.constant 8 : i32
      %scan3A_47 = arith.addi %scan3A_45, %scan3A_46 : i32
      %scan3A_48 = arith.constant 1 : i32
      scf.for %scan3A_50 = %scan3A_45 to %scan3A_47 step %scan3A_48  : i32 {
        %mul3A_51 = arith.constant 1 : i32
        %mul3A_52 = arith.muli %scan3A_50, %mul3A_51 : i32
        %add3A_53 = arith.constant 0 : i32
        %add3A_54 = arith.addi %add3A_53, %mul3A_52 : i32
        %mul3A_55 = arith.constant 16 : i32
        %mul3A_56 = arith.muli %add3A_54, %mul3A_55 : i32
        %add3A_57 = vector.broadcast %mul3A_56 : i32 to vector<16xi32>
        %add3A_58 = arith.addi %add3A_57, %iota3A : vector<16xi32>
        %broadcast_in_dim3A = arith.constant 0 : i32
        %broadcast_in_dim3A_59 = vector.broadcast %broadcast_in_dim3A : i32 to vector<16xi32>
        %broadcast_in_dim3A_60 = arith.constant 0.000000e+00 : f32
        %broadcast_in_dim3A_61 = vector.broadcast %broadcast_in_dim3A_60 : f32 to vector<16xf32>
        %scan3A_62 = arith.constant 0 : i32
        %scan3A_63 = arith.constant 64 : i32
        %scan3A_64 = arith.addi %scan3A_62, %scan3A_63 : i32
        %scan3A_65 = arith.constant 4 : i32
        %scan3A_66 = scf.for %scan3A_76 = %scan3A_62 to %scan3A_64 step %scan3A_65 iter_args(%scan3A_77 = %broadcast_in_dim3A_61) -> (vector<16xf32>)  : i32 {
          %mul3A_78 = arith.constant 1 : i32
          %mul3A_79 = arith.muli %scan3A_76, %mul3A_78 : i32
          %add3A_80 = arith.constant 0 : i32
          %add3A_81 = arith.addi %add3A_80, %mul3A_79 : i32
          %add3A_82 = vector.broadcast %add3A_81 : i32 to vector<16xi32>
          %add3A_83 = arith.addi %broadcast_in_dim3A_59, %add3A_82 : vector<16xi32>
          %gather3A = tpu.vector_load_idx %arg11[%add3A_58, %add3A_83] : memref<128x64xf32, #tpu.memory_space<vmem>>[vector<16xi32>, vector<16xi32>], vector<16xf32>,
          %gather3A_84 = tpu.vector_load_idx %arg12[%add3A_58, %add3A_83] : memref<128x64xf32, #tpu.memory_space<vmem>>[vector<16xi32>, vector<16xi32>], vector<16xf32>,
          %add3A_85 = arith.addf %gather3A, %gather3A_84 : vector<16xf32>
          %mul3A_86 = arith.constant 2.000000e-01 : f32
          %mul3A_87 = vector.broadcast %mul3A_86 : f32 to vector<16xf32>
          %mul3A_88 = arith.mulf %mul3A_87, %add3A_85 : vector<16xf32>
          %max3A = arith.maximumf %add3A_85, %mul3A_88 : vector<16xf32>
          %mul3A_89 = arith.constant 16 : i32
          %mul3A_90 = arith.muli %add3A_81, %mul3A_89 : i32
          %get3A = arith.index_cast %mul3A_90 : i32 to index
          %get3A_91 = tpu.vector_load %arg14[%get3A] {strides = array<i32>} : memref<1024xf32, #tpu.memory_space<vmem>>, vector<16xf32>,
          %mul3A_92 = arith.mulf %max3A, %get3A_91 : vector<16xf32>
          %add3A_93 = arith.addf %scan3A_77, %mul3A_92 : vector<16xf32>
          %scan3A_94 = arith.constant 1 : i32
          %scan3A_95 = arith.addi %scan3A_76, %scan3A_94 : i32
          %mul3A_96 = arith.constant 1 : i32
          %mul3A_97 = arith.muli %scan3A_95, %mul3A_96 : i32
          %add3A_98 = arith.constant 0 : i32
          %add3A_99 = arith.addi %add3A_98, %mul3A_97 : i32
          %add3A_100 = vector.broadcast %add3A_99 : i32 to vector<16xi32>
          %add3A_101 = arith.addi %broadcast_in_dim3A_59, %add3A_100 : vector<16xi32>
          %gather3A_102 = tpu.vector_load_idx %arg11[%add3A_58, %add3A_101] : memref<128x64xf32, #tpu.memory_space<vmem>>[vector<16xi32>, vector<16xi32>], vector<16xf32>,
          %gather3A_103 = tpu.vector_load_idx %arg12[%add3A_58, %add3A_101] : memref<128x64xf32, #tpu.memory_space<vmem>>[vector<16xi32>, vector<16xi32>], vector<16xf32>,
          %add3A_104 = arith.addf %gather3A_102, %gather3A_103 : vector<16xf32>
          %mul3A_105 = arith.constant 2.000000e-01 : f32
          %mul3A_106 = vector.broadcast %mul3A_105 : f32 to vector<16xf32>
          %mul3A_107 = arith.mulf %mul3A_106, %add3A_104 : vector<16xf32>
          %max3A_108 = arith.maximumf %add3A_104, %mul3A_107 : vector<16xf32>
          %mul3A_109 = arith.constant 16 : i32
          %mul3A_110 = arith.muli %add3A_99, %mul3A_109 : i32
          %get3A_111 = arith.index_cast %mul3A_110 : i32 to index
          %get3A_112 = tpu.vector_load %arg14[%get3A_111] {strides = array<i32>} : memref<1024xf32, #tpu.memory_space<vmem>>, vector<16xf32>,
          %mul3A_113 = arith.mulf %max3A_108, %get3A_112 : vector<16xf32>
          %add3A_114 = arith.addf %add3A_93, %mul3A_113 : vector<16xf32>
          %scan3A_115 = arith.constant 2 : i32
          %scan3A_116 = arith.addi %scan3A_76, %scan3A_115 : i32
          %mul3A_117 = arith.constant 1 : i32
          %mul3A_118 = arith.muli %scan3A_116, %mul3A_117 : i32
          %add3A_119 = arith.constant 0 : i32
          %add3A_120 = arith.addi %add3A_119, %mul3A_118 : i32
          %add3A_121 = vector.broadcast %add3A_120 : i32 to vector<16xi32>
          %add3A_122 = arith.addi %broadcast_in_dim3A_59, %add3A_121 : vector<16xi32>
          %gather3A_123 = tpu.vector_load_idx %arg11[%add3A_58, %add3A_122] : memref<128x64xf32, #tpu.memory_space<vmem>>[vector<16xi32>, vector<16xi32>], vector<16xf32>,
          %gather3A_124 = tpu.vector_load_idx %arg12[%add3A_58, %add3A_122] : memref<128x64xf32, #tpu.memory_space<vmem>>[vector<16xi32>, vector<16xi32>], vector<16xf32>,
          %add3A_125 = arith.addf %gather3A_123, %gather3A_124 : vector<16xf32>
          %mul3A_126 = arith.constant 2.000000e-01 : f32
          %mul3A_127 = vector.broadcast %mul3A_126 : f32 to vector<16xf32>
          %mul3A_128 = arith.mulf %mul3A_127, %add3A_125 : vector<16xf32>
          %max3A_129 = arith.maximumf %add3A_125, %mul3A_128 : vector<16xf32>
          %mul3A_130 = arith.constant 16 : i32
          %mul3A_131 = arith.muli %add3A_120, %mul3A_130 : i32
          %get3A_132 = arith.index_cast %mul3A_131 : i32 to index
          %get3A_133 = tpu.vector_load %arg14[%get3A_132] {strides = array<i32>} : memref<1024xf32, #tpu.memory_space<vmem>>, vector<16xf32>,
          %mul3A_134 = arith.mulf %max3A_129, %get3A_133 : vector<16xf32>
          %add3A_135 = arith.addf %add3A_114, %mul3A_134 : vector<16xf32>
          %scan3A_136 = arith.constant 3 : i32
          %scan3A_137 = arith.addi %scan3A_76, %scan3A_136 : i32
          %mul3A_138 = arith.constant 1 : i32
          %mul3A_139 = arith.muli %scan3A_137, %mul3A_138 : i32
          %add3A_140 = arith.constant 0 : i32
          %add3A_141 = arith.addi %add3A_140, %mul3A_139 : i32
          %add3A_142 = vector.broadcast %add3A_141 : i32 to vector<16xi32>
          %add3A_143 = arith.addi %broadcast_in_dim3A_59, %add3A_142 : vector<16xi32>
          %gather3A_144 = tpu.vector_load_idx %arg11[%add3A_58, %add3A_143] : memref<128x64xf32, #tpu.memory_space<vmem>>[vector<16xi32>, vector<16xi32>], vector<16xf32>,
          %gather3A_145 = tpu.vector_load_idx %arg12[%add3A_58, %add3A_143] : memref<128x64xf32, #tpu.memory_space<vmem>>[vector<16xi32>, vector<16xi32>], vector<16xf32>,
          %add3A_146 = arith.addf %gather3A_144, %gather3A_145 : vector<16xf32>
          %mul3A_147 = arith.constant 2.000000e-01 : f32
          %mul3A_148 = vector.broadcast %mul3A_147 : f32 to vector<16xf32>
          %mul3A_149 = arith.mulf %mul3A_148, %add3A_146 : vector<16xf32>
          %max3A_150 = arith.maximumf %add3A_146, %mul3A_149 : vector<16xf32>
          %mul3A_151 = arith.constant 16 : i32
          %mul3A_152 = arith.muli %add3A_141, %mul3A_151 : i32
          %get3A_153 = arith.index_cast %mul3A_152 : i32 to index
          %get3A_154 = tpu.vector_load %arg14[%get3A_153] {strides = array<i32>} : memref<1024xf32, #tpu.memory_space<vmem>>, vector<16xf32>,
          %mul3A_155 = arith.mulf %max3A_150, %get3A_154 : vector<16xf32>
          %add3A_156 = arith.addf %add3A_135, %mul3A_155 : vector<16xf32>
          scf.yield %add3A_156 : vector<16xf32>
        }
        %scan3A_67 = arith.constant 64 : i32
        %exp3A = math.exp %scan3A_66 : vector<16xf32>
        %scan3A_68 = arith.constant 0 : i32
        %scan3A_69 = arith.constant 64 : i32
        %scan3A_70 = arith.addi %scan3A_68, %scan3A_69 : i32
        %scan3A_71 = arith.constant 4 : i32
        scf.for %scan3A_76 = %scan3A_68 to %scan3A_70 step %scan3A_71  : i32 {
          %mul3A_77 = arith.constant 1 : i32
          %mul3A_78 = arith.muli %scan3A_76, %mul3A_77 : i32
          %add3A_79 = arith.constant 0 : i32
          %add3A_80 = arith.addi %add3A_79, %mul3A_78 : i32
          %add3A_81 = vector.broadcast %add3A_80 : i32 to vector<16xi32>
          %add3A_82 = arith.addi %broadcast_in_dim3A_59, %add3A_81 : vector<16xi32>
          %gather3A = tpu.vector_load_idx %arg11[%add3A_58, %add3A_82] : memref<128x64xf32, #tpu.memory_space<vmem>>[vector<16xi32>, vector<16xi32>], vector<16xf32>,
          %mul3A_83 = arith.mulf %gather3A, %exp3A : vector<16xf32>
          tpu.vector_store_idx %arg13[%add3A_58, %add3A_82], %mul3A_83 : memref<128x72xf32, #tpu.memory_space<vmem>>[vector<16xi32>, vector<16xi32>], vector<16xf32>,
          %scan3A_84 = arith.constant 1 : i32
          %scan3A_85 = arith.addi %scan3A_76, %scan3A_84 : i32
          %mul3A_86 = arith.constant 1 : i32
          %mul3A_87 = arith.muli %scan3A_85, %mul3A_86 : i32
          %add3A_88 = arith.constant 0 : i32
          %add3A_89 = arith.addi %add3A_88, %mul3A_87 : i32
          %add3A_90 = vector.broadcast %add3A_89 : i32 to vector<16xi32>
          %add3A_91 = arith.addi %broadcast_in_dim3A_59, %add3A_90 : vector<16xi32>
          %gather3A_92 = tpu.vector_load_idx %arg11[%add3A_58, %add3A_91] : memref<128x64xf32, #tpu.memory_space<vmem>>[vector<16xi32>, vector<16xi32>], vector<16xf32>,
          %mul3A_93 = arith.mulf %gather3A_92, %exp3A : vector<16xf32>
          tpu.vector_store_idx %arg13[%add3A_58, %add3A_91], %mul3A_93 : memref<128x72xf32, #tpu.memory_space<vmem>>[vector<16xi32>, vector<16xi32>], vector<16xf32>,
          %scan3A_94 = arith.constant 2 : i32
          %scan3A_95 = arith.addi %scan3A_76, %scan3A_94 : i32
          %mul3A_96 = arith.constant 1 : i32
          %mul3A_97 = arith.muli %scan3A_95, %mul3A_96 : i32
          %add3A_98 = arith.constant 0 : i32
          %add3A_99 = arith.addi %add3A_98, %mul3A_97 : i32
          %add3A_100 = vector.broadcast %add3A_99 : i32 to vector<16xi32>
          %add3A_101 = arith.addi %broadcast_in_dim3A_59, %add3A_100 : vector<16xi32>
          %gather3A_102 = tpu.vector_load_idx %arg11[%add3A_58, %add3A_101] : memref<128x64xf32, #tpu.memory_space<vmem>>[vector<16xi32>, vector<16xi32>], vector<16xf32>,
          %mul3A_103 = arith.mulf %gather3A_102, %exp3A : vector<16xf32>
          tpu.vector_store_idx %arg13[%add3A_58, %add3A_101], %mul3A_103 : memref<128x72xf32, #tpu.memory_space<vmem>>[vector<16xi32>, vector<16xi32>], vector<16xf32>,
          %scan3A_104 = arith.constant 3 : i32
          %scan3A_105 = arith.addi %scan3A_76, %scan3A_104 : i32
          %mul3A_106 = arith.constant 1 : i32
          %mul3A_107 = arith.muli %scan3A_105, %mul3A_106 : i32
          %add3A_108 = arith.constant 0 : i32
          %add3A_109 = arith.addi %add3A_108, %mul3A_107 : i32
          %add3A_110 = vector.broadcast %add3A_109 : i32 to vector<16xi32>
          %add3A_111 = arith.addi %broadcast_in_dim3A_59, %add3A_110 : vector<16xi32>
          %gather3A_112 = tpu.vector_load_idx %arg11[%add3A_58, %add3A_111] : memref<128x64xf32, #tpu.memory_space<vmem>>[vector<16xi32>, vector<16xi32>], vector<16xf32>,
          %mul3A_113 = arith.mulf %gather3A_112, %exp3A : vector<16xf32>
          tpu.vector_store_idx %arg13[%add3A_58, %add3A_111], %mul3A_113 : memref<128x72xf32, #tpu.memory_space<vmem>>[vector<16xi32>, vector<16xi32>], vector<16xf32>,
        }
        %scan3A_72 = arith.constant 64 : i32
        %add3A_73 = arith.constant 64 : i32
        %add3A_74 = vector.broadcast %add3A_73 : i32 to vector<16xi32>
        %add3A_75 = arith.addi %broadcast_in_dim3A_59, %add3A_74 : vector<16xi32>
        tpu.vector_store_idx %arg13[%add3A_58, %add3A_75], %exp3A : memref<128x72xf32, #tpu.memory_space<vmem>>[vector<16xi32>, vector<16xi32>], vector<16xf32>,
      }
      %scan3A_49 = arith.constant 8 : i32
      "tpu.region"() ({
        %run_scoped3A = tpu.sem_alloc : memref<!tpu.dma_semaphore, #tpu.memory_space<semaphore_mem>>
        %dma_start3A_50 = arith.constant 0 : i32
        %dma_start3A_51 = arith.constant 0 : i32
        %dma_start3A_52 = tpu.memref_slice %arg15[%dma_start3A_50, %dma_start3A_51] : memref<10016x72xf32, #tpu.memory_space<vmem_shared>> -> memref<10016x72xf32, #tpu.memory_space<vmem_shared>>
        tpu.enqueue_indirect_dma source(%arg13 : memref<128x72xf32, #tpu.memory_space<vmem>>) target(%dma_start3A_52 : memref<10016x72xf32, #tpu.memory_space<vmem_shared>>) offsets(%arg10 : memref<128xi32, #tpu.memory_space<vmem>>) semaphore(%run_scoped3A : memref<!tpu.dma_semaphore, #tpu.memory_space<semaphore_mem>>) {add = true}
        %dma_wait3A_53 = arith.constant 0 : i32
        %dma_wait3A_54 = arith.constant 0 : i32
        %dma_wait3A_55 = tpu.memref_slice %arg15[%dma_wait3A_53, %dma_wait3A_54] : memref<10016x72xf32, #tpu.memory_space<vmem_shared>> -> memref<10016x72xf32, #tpu.memory_space<vmem_shared>>
        tpu.wait_indirect_dma semaphore(%run_scoped3A : memref<!tpu.dma_semaphore, #tpu.memory_space<semaphore_mem>>) src(%arg13 : memref<128x72xf32, #tpu.memory_space<vmem>>) dst(%dma_wait3A_55 : memref<10016x72xf32, #tpu.memory_space<vmem_shared>>)
        tpu.yield
      }) : () -> ()
    }
    %scan3A_18 = arith.constant 42 : i32
    %barrier3A_19 = arith.constant 0 : index
    tpu.barrier barrier_id(%barrier3A_19)
    %mul3A_20 = arith.constant 626 : i32
    %mul3A_21 = arith.muli %arg1, %mul3A_20 : i32
    %mul3A_22 = arith.constant 10016 : i32
    %mul3A_23 = arith.muli %arg0, %mul3A_22 : i32
    %mul3A_24 = arith.constant 626 : i32
    %mul3A_25 = arith.muli %arg1, %mul3A_24 : i32
    %add3A_26 = arith.addi %mul3A_23, %mul3A_25 : i32
    "tpu.region"() ({
      %run_scoped3A = tpu.sem_alloc : memref<!tpu.dma_semaphore, #tpu.memory_space<semaphore_mem>>
      %dma_start3A = arith.constant 0 : i32
      %dma_start3A_27 = tpu.memref_slice %arg8[%add3A_26, %dma_start3A] : memref<20032x72xf32, #tpu.memory_space<hbm>> -> memref<626x72xf32, #tpu.memory_space<hbm>>
      %dma_start3A_28 = arith.constant 0 : i32
      %dma_start3A_29 = tpu.memref_slice %arg15[%mul3A_21, %dma_start3A_28] : memref<10016x72xf32, #tpu.memory_space<vmem_shared>> -> memref<626x72xf32, #tpu.memory_space<vmem_shared>>
      tpu.enqueue_dma source(%dma_start3A_29 : memref<626x72xf32, #tpu.memory_space<vmem_shared>>) target(%dma_start3A_27 : memref<626x72xf32, #tpu.memory_space<hbm>>) target_semaphore(%run_scoped3A : memref<!tpu.dma_semaphore, #tpu.memory_space<semaphore_mem>>)
      %dma_wait3A = arith.constant 0 : i32
      %dma_wait3A_30 = tpu.memref_slice %arg8[%add3A_26, %dma_wait3A] : memref<20032x72xf32, #tpu.memory_space<hbm>> -> memref<626x72xf32, #tpu.memory_space<hbm>>
      %dma_wait3A_31 = arith.constant 0 : i32
      %dma_wait3A_32 = tpu.memref_slice %arg15[%mul3A_21, %dma_wait3A_31] : memref<10016x72xf32, #tpu.memory_space<vmem_shared>> -> memref<626x72xf32, #tpu.memory_space<vmem_shared>>
      tpu.wait_dma2 semaphore(%run_scoped3A : memref<!tpu.dma_semaphore, #tpu.memory_space<semaphore_mem>>) src(%dma_wait3A_32 : memref<626x72xf32, #tpu.memory_space<vmem_shared>>) dst(%dma_wait3A_30 : memref<626x72xf32, #tpu.memory_space<hbm>>)
      tpu.yield
    }) : () -> ()
    return
  }
}

module attributes {stable_mosaic.version = 14 : i64} {
  func.func @_proj1_body(%arg0: i32, %arg1: i32, %arg2: memref<2504x128xf32, #tpu.memory_space<vmem>>, %arg3: memref<128x128xf32, #tpu.memory_space<vmem>>, %arg4: memref<2x128xf32, #tpu.memory_space<vmem>>, %arg5: memref<128x128xf32, #tpu.memory_space<vmem>>, %arg6: memref<2x128xf32, #tpu.memory_space<vmem>>, %arg7: memref<2504x128xf32, #tpu.memory_space<vmem>>, %arg8: memref<2504x128xf32, #tpu.memory_space<vmem>>) attributes {dimension_semantics = [#tpu.dimension_semantics<arbitrary>, #tpu.dimension_semantics<arbitrary>], iteration_bounds = array<i64: 2, 4>, scalar_prefetch = 0 : i64, scratch_operands = 0 : i64, tpu.core_type = #tpu.core_type<tc>, window_params = [{transform_indices = @transform_0, window_bounds = array<i64: 2504, 128>}, {transform_indices = @transform_1, window_bounds = array<i64: 128, 128>}, {pipeline_mode = #tpu.pipeline_mode<synchronous>, transform_indices = @transform_2, window_bounds = array<i64: 2, 128>}, {transform_indices = @transform_3, window_bounds = array<i64: 128, 128>}, {pipeline_mode = #tpu.pipeline_mode<synchronous>, transform_indices = @transform_4, window_bounds = array<i64: 2, 128>}, {transform_indices = @transform_5, window_bounds = array<i64: 2504, 128>}, {transform_indices = @transform_6, window_bounds = array<i64: 2504, 128>}]} {
    %get3A = arith.constant 0 : index
    %get3A_0 = arith.constant 0 : index
    %get3A_1 = vector.load %arg2[%get3A, %get3A_0] : memref<2504x128xf32, #tpu.memory_space<vmem>>, vector<2504x128xf32>
    %get3A_2 = arith.constant 0 : index
    %get3A_3 = arith.constant 0 : index
    %get3A_4 = vector.load %arg3[%get3A_2, %get3A_3] : memref<128x128xf32, #tpu.memory_space<vmem>>, vector<128x128xf32>
    %dot_general3A = arith.constant dense<0.000000e+00> : vector<2504x128xf32>
    %dot_general3A_5 = tpu.matmul %get3A_1, %get3A_4, %dot_general3A {dimension_numbers = #tpu.dot_dimension_numbers<[1], [0], [0], [1], [0, 0, 1, 1], [], []>, precision = #tpu.contract_precision<fp32>, transpose_lhs_hint = false} : vector<2504x128xf32>, vector<128x128xf32>, vector<2504x128xf32> -> vector<2504x128xf32>
    %get3A_6 = arith.index_cast %arg0 : i32 to index
    %get3A_7 = arith.constant 0 : index
    %get3A_8 = vector.load %arg4[%get3A_6, %get3A_7] : memref<2x128xf32, #tpu.memory_space<vmem>>, vector<1x128xf32>
    %add3A = vector.broadcast %get3A_8 : vector<1x128xf32> to vector<2504x128xf32>
    %add3A_9 = arith.addf %dot_general3A_5, %add3A : vector<2504x128xf32>
    %swap3A = arith.constant 0 : index
    %swap3A_10 = arith.constant 0 : index
    %swap3A_11 = vector.load %arg7[%swap3A, %swap3A_10] : memref<2504x128xf32, #tpu.memory_space<vmem>>, vector<2504x128xf32>
    tpu.vector_store %arg7[%swap3A, %swap3A_10], %add3A_9 {strides = array<i32>} : memref<2504x128xf32, #tpu.memory_space<vmem>>, vector<2504x128xf32>,
    %get3A_12 = arith.constant 0 : index
    %get3A_13 = arith.constant 0 : index
    %get3A_14 = vector.load %arg5[%get3A_12, %get3A_13] : memref<128x128xf32, #tpu.memory_space<vmem>>, vector<128x128xf32>
    %dot_general3A_15 = arith.constant dense<0.000000e+00> : vector<2504x128xf32>
    %dot_general3A_16 = tpu.matmul %get3A_1, %get3A_14, %dot_general3A_15 {dimension_numbers = #tpu.dot_dimension_numbers<[1], [0], [0], [1], [0, 0, 1, 1], [], []>, precision = #tpu.contract_precision<fp32>, transpose_lhs_hint = false} : vector<2504x128xf32>, vector<128x128xf32>, vector<2504x128xf32> -> vector<2504x128xf32>
    %get3A_17 = arith.index_cast %arg0 : i32 to index
    %get3A_18 = arith.constant 0 : index
    %get3A_19 = vector.load %arg6[%get3A_17, %get3A_18] : memref<2x128xf32, #tpu.memory_space<vmem>>, vector<1x128xf32>
    %add3A_20 = vector.broadcast %get3A_19 : vector<1x128xf32> to vector<2504x128xf32>
    %add3A_21 = arith.addf %dot_general3A_16, %add3A_20 : vector<2504x128xf32>
    %swap3A_22 = arith.constant 0 : index
    %swap3A_23 = arith.constant 0 : index
    %swap3A_24 = vector.load %arg8[%swap3A_22, %swap3A_23] : memref<2504x128xf32, #tpu.memory_space<vmem>>, vector<2504x128xf32>
    tpu.vector_store %arg8[%swap3A_22, %swap3A_23], %add3A_21 {strides = array<i32>} : memref<2504x128xf32, #tpu.memory_space<vmem>>, vector<2504x128xf32>,
    return
  }
  func.func @transform_0(%arg0: i32, %arg1: i32) -> (i32, i32) {
    %c0_i32 = arith.constant 0 : i32
    %c0_i32_0 = arith.constant 0 : i32
    return %arg1, %c0_i32 : i32, i32
  }
  func.func @transform_1(%arg0: i32, %arg1: i32) -> (i32, i32) {
    %c0_i32 = arith.constant 0 : i32
    %c0_i32_0 = arith.constant 0 : i32
    return %c0_i32, %arg0 : i32, i32
  }
  func.func @transform_2(%arg0: i32, %arg1: i32) -> (i32, i32) {
    %c0_i32 = arith.constant 0 : i32
    %c0_i32_0 = arith.constant 0 : i32
    %c0_i32_1 = arith.constant 0 : i32
    return %c0_i32, %c0_i32_0 : i32, i32
  }
  func.func @transform_3(%arg0: i32, %arg1: i32) -> (i32, i32) {
    %c0_i32 = arith.constant 0 : i32
    %c0_i32_0 = arith.constant 0 : i32
    return %c0_i32, %arg0 : i32, i32
  }
  func.func @transform_4(%arg0: i32, %arg1: i32) -> (i32, i32) {
    %c0_i32 = arith.constant 0 : i32
    %c0_i32_0 = arith.constant 0 : i32
    %c0_i32_1 = arith.constant 0 : i32
    return %c0_i32, %c0_i32_0 : i32, i32
  }
  func.func @transform_5(%arg0: i32, %arg1: i32) -> (i32, i32) {
    %mul3A = arith.constant 4 : i32
    %mul3A_0 = arith.muli %arg0, %mul3A : i32
    %add3A = arith.addi %mul3A_0, %arg1 : i32
    %c0_i32 = arith.constant 0 : i32
    %c0_i32_1 = arith.constant 0 : i32
    return %add3A, %c0_i32 : i32, i32
  }
  func.func @transform_6(%arg0: i32, %arg1: i32) -> (i32, i32) {
    %mul3A = arith.constant 4 : i32
    %mul3A_0 = arith.muli %arg0, %mul3A : i32
    %add3A = arith.addi %mul3A_0, %arg1 : i32
    %c0_i32 = arith.constant 0 : i32
    %c0_i32_1 = arith.constant 0 : i32
    return %add3A, %c0_i32 : i32, i32
  }
}

module attributes {stable_mosaic.version = 14 : i64} {
  func.func @_mid_body(%arg0: i32, %arg1: memref<2x2504x136xf32, #tpu.memory_space<vmem>>, %arg2: memref<1x256xf32, #tpu.memory_space<vmem>>, %arg3: memref<256x64xf32, #tpu.memory_space<vmem>>, %arg4: memref<1x64xf32, #tpu.memory_space<vmem>>, %arg5: memref<256x64xf32, #tpu.memory_space<vmem>>, %arg6: memref<1x64xf32, #tpu.memory_space<vmem>>, %arg7: memref<2504x64xf32, #tpu.memory_space<vmem>>, %arg8: memref<2504x64xf32, #tpu.memory_space<vmem>>) attributes {dimension_semantics = [#tpu.dimension_semantics<arbitrary>], iteration_bounds = array<i64: 4>, scalar_prefetch = 0 : i64, scratch_operands = 0 : i64, tpu.core_type = #tpu.core_type<tc>, window_params = [{transform_indices = @transform_0, window_bounds = array<i64: 2, 2504, 136>}, {pipeline_mode = #tpu.pipeline_mode<synchronous>, transform_indices = @transform_1, window_bounds = array<i64: 1, 256>}, {pipeline_mode = #tpu.pipeline_mode<synchronous>, transform_indices = @transform_2, window_bounds = array<i64: 256, 64>}, {pipeline_mode = #tpu.pipeline_mode<synchronous>, transform_indices = @transform_3, window_bounds = array<i64: 1, 64>}, {pipeline_mode = #tpu.pipeline_mode<synchronous>, transform_indices = @transform_4, window_bounds = array<i64: 256, 64>}, {pipeline_mode = #tpu.pipeline_mode<synchronous>, transform_indices = @transform_5, window_bounds = array<i64: 1, 64>}, {transform_indices = @transform_6, window_bounds = array<i64: 2504, 64>}, {transform_indices = @transform_7, window_bounds = array<i64: 2504, 64>}]} {
    %get3A = arith.constant 0 : index
    %get3A_0 = arith.constant 0 : index
    %get3A_1 = arith.constant 0 : index
    %get3A_2 = vector.load %arg1[%get3A, %get3A_0, %get3A_1] : memref<2x2504x136xf32, #tpu.memory_space<vmem>>, vector<1x2504x136xf32>
    %get3A_3 = vector.shape_cast %get3A_2 : vector<1x2504x136xf32> to vector<2504x136xf32>
    %slice3A = vector.extract_strided_slice %get3A_3 {offsets = [0, 0], sizes = [2504, 64], strides = [1, 1]} : vector<2504x136xf32> to vector<2504x64xf32>
    %slice3A_4 = vector.extract_strided_slice %get3A_3 {offsets = [0, 128], sizes = [2504, 1], strides = [1, 1]} : vector<2504x136xf32> to vector<2504x1xf32>
    %add3A = arith.constant 1.000000e-16 : f32
    %add3A_5 = vector.broadcast %add3A : f32 to vector<2504x1xf32>
    %add3A_6 = arith.addf %slice3A_4, %add3A_5 : vector<2504x1xf32>
    %div3A = vector.broadcast %add3A_6 : vector<2504x1xf32> to vector<2504x64xf32>
    %div3A_7 = arith.divf %slice3A, %div3A : vector<2504x64xf32>
    %slice3A_8 = vector.extract_strided_slice %get3A_3 {offsets = [0, 64], sizes = [2504, 64], strides = [1, 1]} : vector<2504x136xf32> to vector<2504x64xf32>
    %slice3A_9 = vector.extract_strided_slice %get3A_3 {offsets = [0, 129], sizes = [2504, 1], strides = [1, 1]} : vector<2504x136xf32> to vector<2504x1xf32>
    %add3A_10 = arith.constant 1.000000e-16 : f32
    %add3A_11 = vector.broadcast %add3A_10 : f32 to vector<2504x1xf32>
    %add3A_12 = arith.addf %slice3A_9, %add3A_11 : vector<2504x1xf32>
    %div3A_13 = vector.broadcast %add3A_12 : vector<2504x1xf32> to vector<2504x64xf32>
    %div3A_14 = arith.divf %slice3A_8, %div3A_13 : vector<2504x64xf32>
    %get3A_15 = arith.constant 1 : index
    %get3A_16 = arith.constant 0 : index
    %get3A_17 = arith.constant 0 : index
    %get3A_18 = vector.load %arg1[%get3A_15, %get3A_16, %get3A_17] : memref<2x2504x136xf32, #tpu.memory_space<vmem>>, vector<1x2504x136xf32>
    %get3A_19 = vector.shape_cast %get3A_18 : vector<1x2504x136xf32> to vector<2504x136xf32>
    %slice3A_20 = vector.extract_strided_slice %get3A_19 {offsets = [0, 0], sizes = [2504, 64], strides = [1, 1]} : vector<2504x136xf32> to vector<2504x64xf32>
    %slice3A_21 = vector.extract_strided_slice %get3A_19 {offsets = [0, 128], sizes = [2504, 1], strides = [1, 1]} : vector<2504x136xf32> to vector<2504x1xf32>
    %add3A_22 = arith.constant 1.000000e-16 : f32
    %add3A_23 = vector.broadcast %add3A_22 : f32 to vector<2504x1xf32>
    %add3A_24 = arith.addf %slice3A_21, %add3A_23 : vector<2504x1xf32>
    %div3A_25 = vector.broadcast %add3A_24 : vector<2504x1xf32> to vector<2504x64xf32>
    %div3A_26 = arith.divf %slice3A_20, %div3A_25 : vector<2504x64xf32>
    %slice3A_27 = vector.extract_strided_slice %get3A_19 {offsets = [0, 64], sizes = [2504, 64], strides = [1, 1]} : vector<2504x136xf32> to vector<2504x64xf32>
    %slice3A_28 = vector.extract_strided_slice %get3A_19 {offsets = [0, 129], sizes = [2504, 1], strides = [1, 1]} : vector<2504x136xf32> to vector<2504x1xf32>
    %add3A_29 = arith.constant 1.000000e-16 : f32
    %add3A_30 = vector.broadcast %add3A_29 : f32 to vector<2504x1xf32>
    %add3A_31 = arith.addf %slice3A_28, %add3A_30 : vector<2504x1xf32>
    %div3A_32 = vector.broadcast %add3A_31 : vector<2504x1xf32> to vector<2504x64xf32>
    %div3A_33 = arith.divf %slice3A_27, %div3A_32 : vector<2504x64xf32>
    %concatenate3A = tpu.concatenate %div3A_7, %div3A_14, %div3A_26, %div3A_33 in 1 : vector<2504x64xf32>, vector<2504x64xf32>, vector<2504x64xf32>, vector<2504x64xf32> -> vector<2504x256xf32>
    %get3A_34 = arith.constant 0 : index
    %get3A_35 = arith.constant 0 : index
    %get3A_36 = vector.load %arg2[%get3A_34, %get3A_35] : memref<1x256xf32, #tpu.memory_space<vmem>>, vector<1x256xf32>
    %add3A_37 = vector.broadcast %get3A_36 : vector<1x256xf32> to vector<2504x256xf32>
    %add3A_38 = arith.addf %concatenate3A, %add3A_37 : vector<2504x256xf32>
    %gt3A = arith.constant 0.000000e+00 : f32
    %gt3A_39 = vector.broadcast %gt3A : f32 to vector<2504x256xf32>
    %gt3A_40 = arith.cmpf ogt, %add3A_38, %gt3A_39 : vector<2504x256xf32>
    %min3A = arith.constant 0.000000e+00 : f32
    %min3A_41 = vector.broadcast %min3A : f32 to vector<2504x256xf32>
    %min3A_42 = arith.minimumf %add3A_38, %min3A_41 : vector<2504x256xf32>
    %exp3A = math.exp %min3A_42 : vector<2504x256xf32>
    %sub3A = arith.constant 1.000000e+00 : f32
    %sub3A_43 = vector.broadcast %sub3A : f32 to vector<2504x256xf32>
    %sub3A_44 = arith.subf %exp3A, %sub3A_43 : vector<2504x256xf32>
    %select_n3A = arith.select %gt3A_40, %add3A_38, %sub3A_44 : vector<2504x256xi1>, vector<2504x256xf32>
    %get3A_45 = arith.constant 0 : index
    %get3A_46 = arith.constant 0 : index
    %get3A_47 = vector.load %arg3[%get3A_45, %get3A_46] : memref<256x64xf32, #tpu.memory_space<vmem>>, vector<256x64xf32>
    %dot_general3A = arith.constant dense<0.000000e+00> : vector<2504x64xf32>
    %dot_general3A_48 = tpu.matmul %select_n3A, %get3A_47, %dot_general3A {dimension_numbers = #tpu.dot_dimension_numbers<[1], [0], [0], [1], [0, 0, 1, 1], [], []>, precision = #tpu.contract_precision<fp32>, transpose_lhs_hint = false} : vector<2504x256xf32>, vector<256x64xf32>, vector<2504x64xf32> -> vector<2504x64xf32>
    %get3A_49 = arith.constant 0 : index
    %get3A_50 = arith.constant 0 : index
    %get3A_51 = vector.load %arg4[%get3A_49, %get3A_50] : memref<1x64xf32, #tpu.memory_space<vmem>>, vector<1x64xf32>
    %add3A_52 = vector.broadcast %get3A_51 : vector<1x64xf32> to vector<2504x64xf32>
    %add3A_53 = arith.addf %dot_general3A_48, %add3A_52 : vector<2504x64xf32>
    %swap3A = arith.constant 0 : index
    %swap3A_54 = arith.constant 0 : index
    %swap3A_55 = vector.load %arg7[%swap3A, %swap3A_54] : memref<2504x64xf32, #tpu.memory_space<vmem>>, vector<2504x64xf32>
    tpu.vector_store %arg7[%swap3A, %swap3A_54], %add3A_53 {strides = array<i32>} : memref<2504x64xf32, #tpu.memory_space<vmem>>, vector<2504x64xf32>,
    %get3A_56 = arith.constant 0 : index
    %get3A_57 = arith.constant 0 : index
    %get3A_58 = vector.load %arg5[%get3A_56, %get3A_57] : memref<256x64xf32, #tpu.memory_space<vmem>>, vector<256x64xf32>
    %dot_general3A_59 = arith.constant dense<0.000000e+00> : vector<2504x64xf32>
    %dot_general3A_60 = tpu.matmul %select_n3A, %get3A_58, %dot_general3A_59 {dimension_numbers = #tpu.dot_dimension_numbers<[1], [0], [0], [1], [0, 0, 1, 1], [], []>, precision = #tpu.contract_precision<fp32>, transpose_lhs_hint = false} : vector<2504x256xf32>, vector<256x64xf32>, vector<2504x64xf32> -> vector<2504x64xf32>
    %get3A_61 = arith.constant 0 : index
    %get3A_62 = arith.constant 0 : index
    %get3A_63 = vector.load %arg6[%get3A_61, %get3A_62] : memref<1x64xf32, #tpu.memory_space<vmem>>, vector<1x64xf32>
    %add3A_64 = vector.broadcast %get3A_63 : vector<1x64xf32> to vector<2504x64xf32>
    %add3A_65 = arith.addf %dot_general3A_60, %add3A_64 : vector<2504x64xf32>
    %swap3A_66 = arith.constant 0 : index
    %swap3A_67 = arith.constant 0 : index
    %swap3A_68 = vector.load %arg8[%swap3A_66, %swap3A_67] : memref<2504x64xf32, #tpu.memory_space<vmem>>, vector<2504x64xf32>
    tpu.vector_store %arg8[%swap3A_66, %swap3A_67], %add3A_65 {strides = array<i32>} : memref<2504x64xf32, #tpu.memory_space<vmem>>, vector<2504x64xf32>,
    return
  }
  func.func @transform_0(%arg0: i32) -> (i32, i32, i32) {
    %c0_i32 = arith.constant 0 : i32
    %c0_i32_0 = arith.constant 0 : i32
    %c0_i32_1 = arith.constant 0 : i32
    return %c0_i32, %arg0, %c0_i32_0 : i32, i32, i32
  }
  func.func @transform_1(%arg0: i32) -> (i32, i32) {
    %c0_i32 = arith.constant 0 : i32
    %c0_i32_0 = arith.constant 0 : i32
    %c0_i32_1 = arith.constant 0 : i32
    return %c0_i32, %c0_i32_0 : i32, i32
  }
  func.func @transform_2(%arg0: i32) -> (i32, i32) {
    %c0_i32 = arith.constant 0 : i32
    %c0_i32_0 = arith.constant 0 : i32
    %c0_i32_1 = arith.constant 0 : i32
    return %c0_i32, %c0_i32_0 : i32, i32
  }
  func.func @transform_3(%arg0: i32) -> (i32, i32) {
    %c0_i32 = arith.constant 0 : i32
    %c0_i32_0 = arith.constant 0 : i32
    %c0_i32_1 = arith.constant 0 : i32
    return %c0_i32, %c0_i32_0 : i32, i32
  }
  func.func @transform_4(%arg0: i32) -> (i32, i32) {
    %c0_i32 = arith.constant 0 : i32
    %c0_i32_0 = arith.constant 0 : i32
    %c0_i32_1 = arith.constant 0 : i32
    return %c0_i32, %c0_i32_0 : i32, i32
  }
  func.func @transform_5(%arg0: i32) -> (i32, i32) {
    %c0_i32 = arith.constant 0 : i32
    %c0_i32_0 = arith.constant 0 : i32
    %c0_i32_1 = arith.constant 0 : i32
    return %c0_i32, %c0_i32_0 : i32, i32
  }
  func.func @transform_6(%arg0: i32) -> (i32, i32) {
    %c0_i32 = arith.constant 0 : i32
    %c0_i32_0 = arith.constant 0 : i32
    return %arg0, %c0_i32 : i32, i32
  }
  func.func @transform_7(%arg0: i32) -> (i32, i32) {
    %c0_i32 = arith.constant 0 : i32
    %c0_i32_0 = arith.constant 0 : i32
    return %arg0, %c0_i32 : i32, i32
  }
}

module attributes {stable_mosaic.version = 14 : i64} {
  func.func @_fin_body(%arg0: i32, %arg1: memref<2x1000x72xf32, #tpu.memory_space<vmem>>, %arg2: memref<1x64xf32, #tpu.memory_space<vmem>>, %arg3: memref<64x1xf32, #tpu.memory_space<vmem>>, %arg4: memref<1x1xf32, #tpu.memory_space<vmem>>, %arg5: memref<64x1xf32, #tpu.memory_space<vmem>>, %arg6: memref<1x1xf32, #tpu.memory_space<vmem>>, %arg7: memref<1000x1xf32, #tpu.memory_space<vmem>>, %arg8: memref<1000x1xf32, #tpu.memory_space<vmem>>) attributes {dimension_semantics = [#tpu.dimension_semantics<arbitrary>], iteration_bounds = array<i64: 10>, scalar_prefetch = 0 : i64, scratch_operands = 0 : i64, tpu.core_type = #tpu.core_type<tc>, window_params = [{transform_indices = @transform_0, window_bounds = array<i64: 2, 1000, 72>}, {pipeline_mode = #tpu.pipeline_mode<synchronous>, transform_indices = @transform_1, window_bounds = array<i64: 1, 64>}, {pipeline_mode = #tpu.pipeline_mode<synchronous>, transform_indices = @transform_2, window_bounds = array<i64: 64, 1>}, {pipeline_mode = #tpu.pipeline_mode<synchronous>, transform_indices = @transform_3, window_bounds = array<i64: 1, 1>}, {pipeline_mode = #tpu.pipeline_mode<synchronous>, transform_indices = @transform_4, window_bounds = array<i64: 64, 1>}, {pipeline_mode = #tpu.pipeline_mode<synchronous>, transform_indices = @transform_5, window_bounds = array<i64: 1, 1>}, {transform_indices = @transform_6, window_bounds = array<i64: 1000, 1>}, {transform_indices = @transform_7, window_bounds = array<i64: 1000, 1>}]} {
    %get3A = arith.constant 0 : index
    %get3A_0 = arith.constant 0 : index
    %get3A_1 = arith.constant 0 : index
    %get3A_2 = vector.load %arg1[%get3A, %get3A_0, %get3A_1] : memref<2x1000x72xf32, #tpu.memory_space<vmem>>, vector<1x1000x72xf32>
    %get3A_3 = vector.shape_cast %get3A_2 : vector<1x1000x72xf32> to vector<1000x72xf32>
    %get3A_4 = arith.constant 1 : index
    %get3A_5 = arith.constant 0 : index
    %get3A_6 = arith.constant 0 : index
    %get3A_7 = vector.load %arg1[%get3A_4, %get3A_5, %get3A_6] : memref<2x1000x72xf32, #tpu.memory_space<vmem>>, vector<1x1000x72xf32>
    %get3A_8 = vector.shape_cast %get3A_7 : vector<1x1000x72xf32> to vector<1000x72xf32>
    %slice3A = vector.extract_strided_slice %get3A_3 {offsets = [0, 64], sizes = [1000, 1], strides = [1, 1]} : vector<1000x72xf32> to vector<1000x1xf32>
    %slice3A_9 = vector.extract_strided_slice %get3A_8 {offsets = [0, 64], sizes = [1000, 1], strides = [1, 1]} : vector<1000x72xf32> to vector<1000x1xf32>
    %add3A = arith.addf %slice3A, %slice3A_9 : vector<1000x1xf32>
    %add3A_10 = arith.constant 1.000000e-16 : f32
    %add3A_11 = vector.broadcast %add3A_10 : f32 to vector<1000x1xf32>
    %add3A_12 = arith.addf %add3A, %add3A_11 : vector<1000x1xf32>
    %slice3A_13 = vector.extract_strided_slice %get3A_3 {offsets = [0, 0], sizes = [1000, 64], strides = [1, 1]} : vector<1000x72xf32> to vector<1000x64xf32>
    %slice3A_14 = vector.extract_strided_slice %get3A_8 {offsets = [0, 0], sizes = [1000, 64], strides = [1, 1]} : vector<1000x72xf32> to vector<1000x64xf32>
    %add3A_15 = arith.addf %slice3A_13, %slice3A_14 : vector<1000x64xf32>
    %div3A = vector.broadcast %add3A_12 : vector<1000x1xf32> to vector<1000x64xf32>
    %div3A_16 = arith.divf %add3A_15, %div3A : vector<1000x64xf32>
    %get3A_17 = arith.constant 0 : index
    %get3A_18 = arith.constant 0 : index
    %get3A_19 = vector.load %arg2[%get3A_17, %get3A_18] : memref<1x64xf32, #tpu.memory_space<vmem>>, vector<1x64xf32>
    %add3A_20 = vector.broadcast %get3A_19 : vector<1x64xf32> to vector<1000x64xf32>
    %add3A_21 = arith.addf %div3A_16, %add3A_20 : vector<1000x64xf32>
    %get3A_22 = arith.constant 0 : index
    %get3A_23 = arith.constant 0 : index
    %get3A_24 = vector.load %arg3[%get3A_22, %get3A_23] : memref<64x1xf32, #tpu.memory_space<vmem>>, vector<64x1xf32>
    %dot_general3A = arith.constant dense<0.000000e+00> : vector<1000x1xf32>
    %dot_general3A_25 = tpu.matmul %add3A_21, %get3A_24, %dot_general3A {dimension_numbers = #tpu.dot_dimension_numbers<[1], [0], [0], [1], [0, 0, 1, 1], [], []>, precision = #tpu.contract_precision<fp32>, transpose_lhs_hint = false} : vector<1000x64xf32>, vector<64x1xf32>, vector<1000x1xf32> -> vector<1000x1xf32>
    %get3A_26 = arith.constant 0 : index
    %get3A_27 = arith.constant 0 : index
    %get3A_28 = vector.load %arg4[%get3A_26, %get3A_27] : memref<1x1xf32, #tpu.memory_space<vmem>>, vector<1x1xf32>
    %add3A_29 = vector.broadcast %get3A_28 : vector<1x1xf32> to vector<1000x1xf32>
    %add3A_30 = arith.addf %dot_general3A_25, %add3A_29 : vector<1000x1xf32>
    %get3A_31 = arith.constant 0 : index
    %get3A_32 = arith.constant 0 : index
    %get3A_33 = vector.load %arg5[%get3A_31, %get3A_32] : memref<64x1xf32, #tpu.memory_space<vmem>>, vector<64x1xf32>
    %dot_general3A_34 = arith.constant dense<0.000000e+00> : vector<1000x1xf32>
    %dot_general3A_35 = tpu.matmul %add3A_21, %get3A_33, %dot_general3A_34 {dimension_numbers = #tpu.dot_dimension_numbers<[1], [0], [0], [1], [0, 0, 1, 1], [], []>, precision = #tpu.contract_precision<fp32>, transpose_lhs_hint = false} : vector<1000x64xf32>, vector<64x1xf32>, vector<1000x1xf32> -> vector<1000x1xf32>
    %get3A_36 = arith.constant 0 : index
    %get3A_37 = arith.constant 0 : index
    %get3A_38 = vector.load %arg6[%get3A_36, %get3A_37] : memref<1x1xf32, #tpu.memory_space<vmem>>, vector<1x1xf32>
    %add3A_39 = vector.broadcast %get3A_38 : vector<1x1xf32> to vector<1000x1xf32>
    %add3A_40 = arith.addf %dot_general3A_35, %add3A_39 : vector<1000x1xf32>
    %neg3A = arith.constant 0.000000e+00 : f32
    %neg3A_41 = vector.broadcast %neg3A : f32 to vector<1000x1xf32>
    %neg3A_42 = arith.subf %neg3A_41, %add3A_30 : vector<1000x1xf32>
    %exp3A = math.exp %neg3A_42 : vector<1000x1xf32>
    %add3A_43 = arith.constant 1.000000e+00 : f32
    %add3A_44 = vector.broadcast %add3A_43 : f32 to vector<1000x1xf32>
    %add3A_45 = arith.addf %add3A_44, %exp3A : vector<1000x1xf32>
    %div3A_46 = arith.constant 1.000000e+00 : f32
    %div3A_47 = vector.broadcast %div3A_46 : f32 to vector<1000x1xf32>
    %div3A_48 = arith.divf %div3A_47, %add3A_45 : vector<1000x1xf32>
    %swap3A = arith.constant 0 : index
    %swap3A_49 = arith.constant 0 : index
    %swap3A_50 = vector.load %arg7[%swap3A, %swap3A_49] : memref<1000x1xf32, #tpu.memory_space<vmem>>, vector<1000x1xf32>
    tpu.vector_store %arg7[%swap3A, %swap3A_49], %div3A_48 {strides = array<i32>} : memref<1000x1xf32, #tpu.memory_space<vmem>>, vector<1000x1xf32>,
    %neg3A_51 = arith.constant 0.000000e+00 : f32
    %neg3A_52 = vector.broadcast %neg3A_51 : f32 to vector<1000x1xf32>
    %neg3A_53 = arith.subf %neg3A_52, %add3A_40 : vector<1000x1xf32>
    %exp3A_54 = math.exp %neg3A_53 : vector<1000x1xf32>
    %add3A_55 = arith.constant 1.000000e+00 : f32
    %add3A_56 = vector.broadcast %add3A_55 : f32 to vector<1000x1xf32>
    %add3A_57 = arith.addf %add3A_56, %exp3A_54 : vector<1000x1xf32>
    %div3A_58 = arith.constant 1.000000e+00 : f32
    %div3A_59 = vector.broadcast %div3A_58 : f32 to vector<1000x1xf32>
    %div3A_60 = arith.divf %div3A_59, %add3A_57 : vector<1000x1xf32>
    %swap3A_61 = arith.constant 0 : index
    %swap3A_62 = arith.constant 0 : index
    %swap3A_63 = vector.load %arg8[%swap3A_61, %swap3A_62] : memref<1000x1xf32, #tpu.memory_space<vmem>>, vector<1000x1xf32>
    tpu.vector_store %arg8[%swap3A_61, %swap3A_62], %div3A_60 {strides = array<i32>} : memref<1000x1xf32, #tpu.memory_space<vmem>>, vector<1000x1xf32>,
    return
  }
  func.func @transform_0(%arg0: i32) -> (i32, i32, i32) {
    %c0_i32 = arith.constant 0 : i32
    %c0_i32_0 = arith.constant 0 : i32
    %c0_i32_1 = arith.constant 0 : i32
    return %c0_i32, %arg0, %c0_i32_0 : i32, i32, i32
  }
  func.func @transform_1(%arg0: i32) -> (i32, i32) {
    %c0_i32 = arith.constant 0 : i32
    %c0_i32_0 = arith.constant 0 : i32
    %c0_i32_1 = arith.constant 0 : i32
    return %c0_i32, %c0_i32_0 : i32, i32
  }
  func.func @transform_2(%arg0: i32) -> (i32, i32) {
    %c0_i32 = arith.constant 0 : i32
    %c0_i32_0 = arith.constant 0 : i32
    %c0_i32_1 = arith.constant 0 : i32
    return %c0_i32, %c0_i32_0 : i32, i32
  }
  func.func @transform_3(%arg0: i32) -> (i32, i32) {
    %c0_i32 = arith.constant 0 : i32
    %c0_i32_0 = arith.constant 0 : i32
    %c0_i32_1 = arith.constant 0 : i32
    return %c0_i32, %c0_i32_0 : i32, i32
  }
  func.func @transform_4(%arg0: i32) -> (i32, i32) {
    %c0_i32 = arith.constant 0 : i32
    %c0_i32_0 = arith.constant 0 : i32
    %c0_i32_1 = arith.constant 0 : i32
    return %c0_i32, %c0_i32_0 : i32, i32
  }
  func.func @transform_5(%arg0: i32) -> (i32, i32) {
    %c0_i32 = arith.constant 0 : i32
    %c0_i32_0 = arith.constant 0 : i32
    %c0_i32_1 = arith.constant 0 : i32
    return %c0_i32, %c0_i32_0 : i32, i32
  }
  func.func @transform_6(%arg0: i32) -> (i32, i32) {
    %c0_i32 = arith.constant 0 : i32
    %c0_i32_0 = arith.constant 0 : i32
    return %arg0, %c0_i32 : i32, i32
  }
  func.func @transform_7(%arg0: i32) -> (i32, i32) {
    %c0_i32 = arith.constant 0 : i32
    %c0_i32_0 = arith.constant 0 : i32
    return %arg0, %c0_i32 : i32, i32
  }
}

</mosaic_0001>

<sc_bundles>
// kernel: kernel.10.cloned.1.call-start
scs
__scs_entry_jumppad:
0x0: {  	(pc) =	sbr.rel $0x88, $3  }
0x1: {  	(tag) =	ssettag $0x0;
	lr =	simm.s32 $0x1  }
0x2: {  	[smem:$0x3F8F] =	sst lr;
	_ =	strace $0xD0000000  }
0x3: {  	_ = 	snop  }
0x4: {  	_ = 	snop  }
0x5: {  	_ = 	snop  }
0x6: {  	_ = 	snop  }
0x7: {  	_ = 	snop  }
__scs_overlays_trampoline_lowered:
0x8: {  	[smem:$0x3F9E] =	sst s0  }
0x9: {  	[smem:$0x3F9F] =	sst s1  }
0xa: {  	[smem:$0x3FA0] =	sst s2  }
0xb: {  	[smem:$0x3FA1] =	sst s3  }
0xc: {  	[smem:$0x3FA2] =	sst s4  }
0xd: {  	[smem:$0x3FA3] =	sst s5  }
0xe: {  	[smem:$0x3FA4] =	sst s6  }
0xf: {  	[smem:$0x3FA5] =	sst s7  }
0x10: {  	[smem:$0x3FA6] =	sst s8  }
0x11: {  	[smem:$0x3FA7] =	sst s9;
	s0 =	simm.s32 @!p0 $0x0  }
0x12: {  	s1 =	sld [smem:$0x3F8D];
	s0 =	simm.s32 @p0 $0x1  }
0x13: {  	[smem:$0x3FA8] =	sst s0;
	s0 =	simm.s32 @!p1 $0x0  }
0x14: {  	s2 =	sld [smem:$0x3F8C];
	s0 =	simm.s32 @p1 $0x1  }
0x15: {  	[smem:$0x3FA9] =	sst s0;
	s0 =	simm.s32 @!p2 $0x0  }
0x16: {  	s3 =	sld [smem:$0x3FDB];
	s0 =	simm.s32 @p2 $0x1  }
0x17: {  	s4 =	simm.s32 $0x1BF5;
	[smem:$0x3FAB] =	sst s0  }
0x18: {  	s0 =	sld [smem:$0x3F8E];
	_ =	swait.ge [sflag:s4], $0x0  }
0x19: {  	s7 =	sld [smem:$0x3F8F]  }
0x1a: {  	s8 =	sadd.s32 $0xFFFFE003, lr  }
0x1b: {  	s9 =	sadd.s32 $0xFFFFFEF7, lr;
	s5 =	simm.s32 $0xFFFFFFFF;
	p2 =	slt.u32 s8, $0xFFFFF086  }
0x1c: {  	p1 =	slt.u32 s9, $0xF7A;
	s5 =	simm.s32 @!p2 $0x0  }
0x1d: {  	s5 =	simm.s32 @p1 $0x1;
	p0 =	seq.s32 s7, s2  }
0x1e: {  	s7 =	smul.u32 @!p0 $0xF7A, s2;
	p2 =	seq.s32 @!p0 s5, $0x0  }
0x1f: {  	s9 =	smul.u32 $0xF7A, s1;
	s8 =	simm.s32 @!p0 $0x1BF5;
	p2 =	por !p2, p0  }
0x20: {  	[sflag:s8] =	ssyncset.s32 @!p0 $0xFFFFF086;
	s6 =	sadd.s32 @!p0 s3, s7;
	s7 =	simm.s32 @!p0 $0x108  }
0x21: {  	s3 =	sadd.s32 s3, s9;
	s6 =	sadd.s32 @!p0 $0x88, s6;
	s7 =	simm.s32 @p2 $0x1082  }
0x22: {  	[simem:s7], [sflag:s8] =	dma.local @!p0 [hbm:s6], $0xF7A  }
0x23: {  	s9 =	sor.u32 $0xD0000000, s2;
	s6 =	simm.s32 $0x108;
	_ =	swait.ge @!p0 [sflag:s8], $0x0  }
0x24: {  	s3 =	sadd.s32 $0x88, s3;
	s6 =	simm.s32 @!p1 $0x1082;
	[sflag:s4] =	ssyncset.s32 $0xFFFFF086  }
0x25: {  	[simem:s6], [sflag:s4] =	dma.local [hbm:s3], $0xF7A  }
0x26: {  	[smem:$0x3F8F] =	sst s1;
	(tag) =	ssettag s2;
	_ =	strace s9  }
0x27: {  	s1 =	sld [smem:$0x3F9F]  }
0x28: {  	s2 =	sld [smem:$0x3FA0]  }
0x29: {  	s4 =	sld [smem:$0x3FA2]  }
0x2a: {  	p0 =	seq.s32 s5, $0x0;
	s5 =	sld [smem:$0x3FA3]  }
0x2b: {  	s6 =	sld [smem:$0x3FA4]  }
0x2c: {  	s7 =	sld [smem:$0x3FA5]  }
0x2d: {  	s3 =	simm.s32 $0x108;
	s8 =	sld [smem:$0x3FA6]  }
0x2e: {  	s3 =	simm.s32 @!p0 $0x1082;
	s9 =	sld [smem:$0x3FA7]  }
0x2f: {  	lr =	sadd.s32 s0, s3;
	s0 =	sld [smem:$0x3F9E]  }
0x30: {  	s3 =	sld [smem:$0x3FA1]  }
0x31: {  	[smem:$0x3FAA] =	sst s10  }
0x32: {  	s10 =	sld [smem:$0x3FA8];
	_ =	sdelay $0x3  }
0x33: {  	p0 =	seq.s32 s10, $0x1;
	s10 =	sld [smem:$0x3FAA];
	_ =	sdelay $0x3  }
0x34: {  	[smem:$0x3FAA] =	sst s10  }
0x35: {  	s10 =	sld [smem:$0x3FA9];
	_ =	sdelay $0x3  }
0x36: {  	p1 =	seq.s32 s10, $0x1;
	s10 =	sld [smem:$0x3FAA];
	_ =	sdelay $0x3  }
0x37: {  	[smem:$0x3FAA] =	sst s10  }
0x38: {  	s10 =	sld [smem:$0x3FAB]  }
0x39: {  	_ = 	snop;
	(pc) =	sbr.ind lr, $3  }
0x3a: {  	_ = 	snop  }
0x3b: {  	_ = 	snop  }
0x3c: {  	p2 =	seq.s32 s10, $0x1;
	s10 =	sld [smem:$0x3FAA]  }
0x3d: {  	_ =	shalt  }
0x3e: {  	_ =	shalt  }
0x3f: {  	_ =	shalt  }
0x40: {  	_ =	shalt  }
0x41: {  	_ =	shalt  }
0x42: {  	_ =	shalt  }
0x43: {  	_ =	shalt  }
0x44: {  	_ =	shalt  }
0x45: {  	_ =	shalt  }
0x46: {  	_ =	shalt  }
0x47: {  	_ =	shalt  }
0x48: {  	_ =	shalt  }
0x49: {  	_ =	shalt  }
0x4a: {  	_ =	shalt  }
0x4b: {  	_ =	shalt  }
0x4c: {  	_ =	shalt  }
0x4d: {  	_ =	shalt  }
0x4e: {  	_ =	shalt  }
0x4f: {  	_ =	shalt  }
0x50: {  	_ =	shalt  }
0x51: {  	_ =	shalt  }
0x52: {  	_ =	shalt  }
0x53: {  	_ =	shalt  }
0x54: {  	_ =	shalt  }
0x55: {  	_ =	shalt  }
0x56: {  	_ =	shalt  }
0x57: {  	_ =	shalt  }
0x58: {  	_ =	shalt  }
0x59: {  	_ =	shalt  }
0x5a: {  	_ =	shalt  }
0x5b: {  	_ =	shalt  }
0x5c: {  	_ =	shalt  }
0x5d: {  	_ =	shalt  }
0x5e: {  	_ =	shalt  }
0x5f: {  	_ =	shalt  }
0x60: {  	_ =	shalt  }
0x61: {  	_ =	shalt  }
0x62: {  	_ =	shalt  }
0x63: {  	_ =	shalt  }
0x64: {  	_ =	shalt  }
0x65: {  	_ =	shalt  }
0x66: {  	_ =	shalt  }
0x67: {  	_ =	shalt  }
0x68: {  	_ =	shalt  }
0x69: {  	_ =	shalt  }
0x6a: {  	_ =	shalt  }
0x6b: {  	_ =	shalt  }
0x6c: {  	_ =	shalt  }
0x6d: {  	_ =	shalt  }
0x6e: {  	_ =	shalt  }
0x6f: {  	_ =	shalt  }
0x70: {  	_ =	shalt  }
0x71: {  	_ =	shalt  }
0x72: {  	_ =	shalt  }
0x73: {  	_ =	shalt  }
0x74: {  	_ =	shalt  }
0x75: {  	_ =	shalt  }
0x76: {  	_ =	shalt  }
0x77: {  	_ =	shalt  }
0x78: {  	_ =	shalt  }
0x79: {  	_ =	shalt  }
0x7a: {  	_ =	shalt  }
0x7b: {  	_ =	shalt  }
0x7c: {  	_ =	shalt  }
0x7d: {  	_ =	shalt  }
0x7e: {  	_ =	shalt  }
0x7f: {  	_ =	shalt  }
0x80: {  	_ =	shalt  }
0x81: {  	_ =	shalt  }
0x82: {  	_ =	shalt  }
0x83: {  	_ =	shalt  }
0x84: {  	_ =	shalt  }
0x85: {  	_ =	shalt  }
0x86: {  	_ =	shalt  }
0x87: {  	_ =	shalt  }
.Lfunc_end0:
.L_simem_size_0:
called_computation.1_lowered:
.L_overlay_start_0:
0x88: {  	s2 =	sld [smem:$0x3FD9]  }
0x89: {  	s3 =	sld [smem:$0x3FFE];
	_ =	sdelay $0x1  }
0x8a: {  	s1 =	srdreg.scid  }
0x8b: {  	s0 =	sand.u32 $0x1, s1  }
0x8c: {  	s14 =	sshll.u32 s0, $0xA;
	s2 =	sadd.s32 s3, s2  }
0x8d: {  	s2 =	sadd.s32 s2, s14  }
0x8e: {  	[smem:$0x3FB6] =	sst s2  }
0x8f: {  	_ = 	snop  }
0x90: {  	s2 =	sld [smem:$0x3FD0];
	_ =	sdelay $0x2  }
0x91: {  	s15 =	simm.s32 $0xA;
	s4 =	simm.s32 $0x10  }
0x92: {  	[smem:s4], [sflag:s15] =	dma.local [hbm:s2], $0x1  }
0x93: {  	_ =	swait.eq [sflag:s15], $0x1  }
0x94: {  	[sflag:s15] =	ssyncset.done $0x0  }
0x95: {  	[sflag:s15] =	ssyncadd.s32 $0xFFFFFFFF  }
0x96: {  	s16 =	sld [smem:$0x11];
	(tm) =	ssettm $0x1  }
0x97: {  	s17 =	sld [smem:$0x3FFB];
	_ =	sdelay $0x3  }
0x98: {  	_ =	strace s17  }
0x99: {  	s3 =	sld [smem:$0x3FFC];
	_ =	sdelay $0x3  }
0x9a: {  	_ =	strace s3  }
0x9b: {  	s3 =	sld [smem:$0x3FFD];
	_ =	sdelay $0x3  }
0x9c: {  	_ =	strace s3  }
0x9d: {  	_ =	strace $0x8FFFFFFF  }
0x9e: {  	s18 =	sld [smem:$0x3FDB];
	_ =	sdelay $0x1  }
0x9f: {  	s19 =	simm.s32 $_scs_section_size  }
0xa0: {  	s5 =	simm.s32 $_size__tile_overlayer_lowered;
	s6 =	simm.s32 $_tile_overlayer_lowered  }
0xa1: {  	s22 =	simm.s32 $0x1BFF;
	s21 =	sshll.u32 s6, $0x1;
	s3 =	sadd.s32 s19, s18  }
0xa2: {  	s7 =	simm.s32 $0x0;
	s20 =	sshll.u32 s5, $0x1;
	s5 =	sadd.s32 s21, s3  }
0xa3: {  	[timem:s7], [sflag:s22] =	dma.local [hbm:s5], s20  }
0xa4: {  	_ =	swait.ge [sflag:s22], s20  }
0xa5: {  	s4 =	ssub.s32 $0x0, s20;
	[sflag:s22] =	ssyncset.done $0x0  }
0xa6: {  	[sflag:s22] =	ssyncadd.s32 s4;
	_ =	sdelay $0x1  }
0xa7: {  	s23 =	simm.s32 $0x1B8B  }
0xa8: {  	_ =	swait.ge [sflag:s23], $0x1  }
0xa9: {  	[sflag:s23] =	ssyncset.done $0x0  }
0xaa: {  	s25 =	simm.s32 $0x1B8E;
	s24 =	sld [smem:$0x3FFE];
	[sflag:s23] =	ssyncadd.s32 $0xFFFFFFFF  }
0xab: {  	s26 =	simm.s32 $execute0_lowered;
	[smem:$0x3FD2] =	sst s25  }
0xac: {  	s5 =	sshll.u32 s26, $0x1;
	_ =	strace $0x80000049;
	[dreg:$0x1] =	wrdreg $0xFFFFFFFF  }
0xad: {  	s28 =	simm.s32 $_size_execute0_lowered;
	s3 =	sadd.s32 s3, s5;
	[dreg:$0x0] =	wrdreg $0x0  }
0xae: {  	s5 =	sshll.u32 s28, $0x1;
	[dreg:$0x2] =	wrdreg s3  }
0xaf: {  	[dreg:$0x3] =	wrdreg s5  }
0xb0: {  	[dreg:$0x4] =	wrdreg $0xC0  }
0xb1: {  	_ =	task [dreg:s7], $0x5FFFF  }
0xb2: {  	[dreg:$0x1] =	wrdreg $0xFFFFFFFF  }
0xb3: {  	[dreg:$0x0] =	wrdreg $0x60  }
0xb4: {  	[dreg:$0x2] =	wrdreg s24  }
0xb5: {  	[dreg:$0x3] =	wrdreg s16  }
0xb6: {  	[dreg:$0x4] =	wrdreg $0x69000  }
0xb7: {  	[dreg:$0x5] =	wrdreg $0x9  }
0xb8: {  	_ =	task.clear_ibuf [dreg:s7], $0x6FFFF;
	_ =	strace $0x90000049  }
0xb9: {  	s29 =	simm.s32 $0x9;
	_ =	strace $0x8000004B  }
0xba: {  	_ =	swait.ge [sflag:s29], $0x1  }
0xbb: {  	[sflag:s29] =	ssyncadd.s32 $0xFFFFFFFF  }
0xbc: {  	_ =	strace $0x9000004B  }
0xbd: {  	_ =	sfence  }
0xbe: {  	s30 =	sld [smem:$0x0];
	_ =	sdelay $0x2  }
0xbf: {  	s31 =	sshll.u32 s1, $0xD;
	s1 =	sshrl.u32 s1, $0x2  }
0xc0: {  	s3 =	sand.u32 $0x4000, s31;
	s1 =	sadd.s32 s1, s30  }
0xc1: {  	s0 =	sor.u32 s3, s0;
	s1 =	sshll.u32 s1, $0x11  }
0xc2: {  	s0 =	sor.u32 s1, s0  }
0xc3: {  	s0 =	sadd.s32 $0x8F2B, s0  }
0xc4: {  	[sflag:s0] =	ssyncadd.remote.s32 $0x1  }
0xc5: {  	_ =	sfence.sel $0xFFFF  }
0xc6: {  	[dreg:$0x0] =	wrdreg $0xFFFFFFFF;
	(pc) =	sbr.abs _section_cstart, $3  }
0xc7: {  	[dreg:$0x1] =	wrdreg $0xFFFFFFFF  }
0xc8: {  	_ =	task.clear_ibuf [dreg:s7], $0x2FFFF;
	_ =	strace $0x9FFFFFFF  }
0xc9: {  	(tm) =	ssettm $0x7FFFFFFF  }
tec
execute0_lowered:
.L_overlay_start_1:
0x0: {  	(tag) =	ssettag $0x1  }
0x1: {  	s0 =	rddreg [dreg:$0x0]  }
0x2: {  	s3 =	rddreg [dreg:$0x2]  }
0x3: {  	s4 =	simm.s32 $0x0;
	s5 =	srdreg.scid;
	s2 =	stileid.u32  }
0x4: {  	s19 =	simm.s32 $0x3;
	s20 =	simm.s32 $0x4100;
	s21 =	simm.s32 $0x80  }
0x5: {  	s22 =	simm.s32 $0x100;
	s23 =	simm.s32 $0x2100;
	s24 =	simm.s32 $0x1  }
0x6: {  	s25 =	simm.s32 $0x2;
	s26 =	simm.s32 $0x0;
	s29 =	simm.s32 $0x0  }
0x7: {  	[smem:$0x7FF] =	sst s4;
	s11 =	sand.u32 $0x1, s5;
	s10 =	smul.u32 $0x1602, s2  }
0x8: {  	s5 =	sadd.s32 $0x6A00, s0;
	s6 =	sadd.s32 $0x1600, s0;
	s13 =	smul.u32 $0x2C040, s2  }
0x9: {  	s7 =	sadd.s32 $0x22200, s0;
	s8 =	sadd.s32 $0xE800, s0;
	s16 =	smul.u32 $0x1500, s2  }
0xa: {  	s9 =	sadd.s32 $0xE600, s0;
	s12 =	smul.u32 $0x16020, s11;
	s28 =	ssub.s32 $0x2, s11  }
0xb: {  	_ =	strace $0x8000004A;
	s15 =	smul.u32 $0x15000, s11;
	s31 =	sshrl.u32 s28, $0x1  }
0xc: {  	s30 =	sshrl.u32 s13, $0x2;
	s10 =	sadd.s32 s10, s12;
	s17 =	ssub.s32 s28, s31  }
0xd: {  	s15 =	sadd.s32 s16, s15;
	s0 =	sadd.s32 s10, s0;
	s10 =	sadd.s32 s30, s3  }
0xe: {  	s17 =	smax.u32 s17, $0x1;
	s11 =	sadd.s32 $0x2400, s10;
	s12 =	sadd.s32 $0x4800, s10  }
0xf: {  	v0 =	vlaneseq.u32;
	s13 =	sadd.s32 $0x6C00, s10;
	s14 =	sadd.s32 $0x9000, s10;
	s16 =	sadd.s32 $0x35C00, s0  }
.LBB2_1:
0x10: {  	s0 =	simm.s32 $0x6500  }
0x11: {  	[tilespmem:s0], [sflag:$0x3] =	stream.linear.gather [hbm4b:s9+s4], $0x400, $0x38;
	[tilespmem:$0x11910] =	vst v63  }
0x12: {  	_ =	swait.ge [sflag:s19], $0x400  }
0x13: {  	[sflag:s19] =	ssyncset.done $0x0  }
0x14: {  	[sflag:s19] =	ssyncadd.s32 $0xFFFFFC00  }
0x15: {  	s31 =	rddreg [dreg:$0x1]  }
0x16: {  	[tilespmem:s20], [sflag:$0x3] =	stream.linear.gather [hbm4b:s31+s4], $0x2400, $0x38;
	[tilespmem:$0x11910] =	vst v63  }
0x17: {  	_ =	swait.ge [sflag:s19], $0x2400  }
0x18: {  	[sflag:s19] =	ssyncset.done $0x0  }
0x19: {  	[sflag:s19] =	ssyncadd.s32 $0xFFFFDC00  }
0x1a: {  	[spmem:s10] =	stream.linear.scatter [tilespmem:s20], [sflag:$0x3], $0x2400, $0x38;
	[tilespmem:$0x11910] =	vst v63  }
0x1b: {  	_ =	swait.ge [sflag:s19], $0x2400  }
0x1c: {  	[sflag:s19] =	ssyncset.done $0x0  }
0x1d: {  	[sflag:s19] =	ssyncadd.s32 $0xFFFFDC00  }
0x1e: {  	[spmem:s11] =	stream.linear.scatter [tilespmem:s20], [sflag:$0x3], $0x2400, $0x38;
	[tilespmem:$0x11910] =	vst v63  }
0x1f: {  	_ =	swait.ge [sflag:s19], $0x2400  }
0x20: {  	[sflag:s19] =	ssyncset.done $0x0  }
0x21: {  	[sflag:s19] =	ssyncadd.s32 $0xFFFFDC00  }
0x22: {  	[spmem:s12] =	stream.linear.scatter [tilespmem:s20], [sflag:$0x3], $0x2400, $0x38;
	[tilespmem:$0x11910] =	vst v63  }
0x23: {  	_ =	swait.ge [sflag:s19], $0x2400  }
0x24: {  	[sflag:s19] =	ssyncset.done $0x0  }
0x25: {  	[sflag:s19] =	ssyncadd.s32 $0xFFFFDC00  }
0x26: {  	[spmem:s13] =	stream.linear.scatter [tilespmem:s20], [sflag:$0x3], $0x2400, $0x38;
	[tilespmem:$0x11910] =	vst v63  }
0x27: {  	_ =	swait.ge [sflag:s19], $0x2400  }
0x28: {  	[sflag:s19] =	ssyncset.done $0x0  }
0x29: {  	[sflag:s19] =	ssyncadd.s32 $0xFFFFDC00  }
0x2a: {  	[spmem:s14] =	stream.linear.scatter [tilespmem:s20], [sflag:$0x3], $0x2010, $0x38;
	[tilespmem:$0x11910] =	vst v63  }
0x2b: {  	_ =	swait.ge [sflag:s19], $0x2010  }
0x2c: {  	[sflag:s19] =	ssyncset.done $0x0  }
0x2d: {  	[sflag:s19] =	ssyncadd.s32 $0xFFFFDFF0  }
0x2e: {  	s28 =	simm.s32 $0x0;
	[bflag:$0x0] =	sbarrier.arrive $0xFFFF  }
.LBB2_2:
0x2f: {  	s0 =	sshll.u32 s28, $0x7  }
0x30: {  	s0 =	sadd.s32 s0, s15  }
0x31: {  	s0 =	sshrl.u32 s0, $0x3  }
0x32: {  	s30 =	sadd.s32 s5, s0  }
0x33: {  	[tilespmem:s29], [sflag:$0x3] =	stream.linear.gather [hbm4b:s30+s29], $0x80, $0x38;
	[tilespmem:$0x11910] =	vst v63  }
0x34: {  	_ =	swait.ge [sflag:s19], $0x80  }
0x35: {  	[sflag:s19] =	ssyncset.done $0x0  }
0x36: {  	s0 =	sadd.s32 s6, s0;
	[sflag:s19] =	ssyncadd.s32 $0xFFFFFF80  }
0x37: {  	[tilespmem:s21], [sflag:$0x3] =	stream.linear.gather [hbm4b:s0+s29], $0x80, $0x38;
	[tilespmem:$0x11910] =	vst v63  }
0x38: {  	_ =	swait.ge [sflag:s19], $0x80  }
0x39: {  	[sflag:s19] =	ssyncset.done $0x0  }
0x3a: {  	[sflag:s19] =	ssyncadd.s32 $0xFFFFFF80  }
0x3b: {  	[tilespmem:s22], [sflag:$0x1] =	stream.indirect.gather [hbm4b:s7+s21], $0x40, s29, s21, $0xb8;
	[tilespmem:$0x11910] =	vst v63  }
0x3c: {  	_ = 	snop  }
0x3d: {  	[tilespmem:s23], [sflag:$0x2] =	stream.indirect.gather [hbm4b:s8+s21], $0x40, s21, s21, $0xb8;
	[tilespmem:$0x11910] =	vst v63  }
0x3e: {  	_ =	swait.ge [sflag:s24], $0x2000  }
0x3f: {  	[sflag:s24] =	ssyncset.done $0x0  }
0x40: {  	[sflag:s24] =	ssyncadd.s32 $0xFFFFE000  }
0x41: {  	_ =	swait.ge [sflag:s25], $0x2000  }
0x42: {  	[sflag:s25] =	ssyncset.done $0x0  }
0x43: {  	s30 =	simm.s32 $0x0;
	[sflag:s25] =	ssyncadd.s32 $0xFFFFE000  }
.LBB2_3:
0x44: {  	v1 =	vmov s29  }
0x45: {  	s0 =	sshll.u32 s30, $0x4;
	s31 =	simm.s32 $0x1;
	v1 =	vand.u32 $0x3C, v1  }
0x46: {  	v2 =	vor.u32 s0, v0;
	v3 =	vmov s31;
	v4 =	vbroadcast v1, $0x0  }
0x47: {  	s18 =	simm.s32 $0x2;
	v1 =	vshll.u32 v2, $0x6;
	v3 =	vand.u32 $0x3D, v3  }
0x48: {  	v5 =	vmov s18;
	v3 =	vbroadcast v3, $0x0;
	v4 =	vor.u32 v1, v4  }
0x49: {  	v5 =	vand.u32 $0x3E, v5  }
0x4a: {  	s1 =	simm.s32 $0x3;
	v5 =	vbroadcast v5, $0x0;
	v3 =	vor.u32 v1, v3  }
0x4b: {  	v6 =	vmov s1;
	s0 =	simm.s32 $0x6520  }
0x4c: {  	v6 =	vand.u32 $0x3F, v6;
	v8 =	vld [tilespmem:s0+$0xFFFFFFE0];
	v5 =	vor.u32 v1, v5  }
0x4d: {  	v6 =	vbroadcast v6, $0x0;
	v7 =	vld.idx.msk [tilespmem:v4+s22+$0x0], $0xffff  }
0x4e: {  	v4 =	vld.idx.msk [tilespmem:v4+s23+$0x0], $0xffff  }
0x4f: {  	s31 =	simm.s32 $0x4;
	v6 =	vor.u32 v1, v6;
	v9 =	vld.idx.msk [tilespmem:v3+s22+$0x0], $0xffff  }
0x50: {  	s1 =	simm.s32 $0x5;
	v10 =	vmov s31;
	v11 =	vld.idx.msk [tilespmem:v3+s23+$0x0], $0xffff  }
0x51: {  	v13 =	vmov s1;
	v3 =	vand.u32 $0x3C, v10;
	v10 =	vld.idx.msk [tilespmem:v5+s22+$0x0], $0xffff  }
0x52: {  	s31 =	simm.s32 $0x6;
	v13 =	vand.u32 $0x3D, v13;
	v5 =	vld.idx.msk [tilespmem:v5+s23+$0x0], $0xffff;
	v3 =	vbroadcast v3, $0x0  }
0x53: {  	v18 =	vimm.f32 $0.0e+00;
	v20 =	vld [tilespmem:s0+$0xFFFFFFF0];
	v12 =	vmov s31;
	v13 =	vbroadcast v13, $0x0  }
0x54: {  	s31 =	simm.s32 $0x7;
	v12 =	vand.u32 $0x3E, v12;
	v15 =	vld.idx.msk [tilespmem:v6+s22+$0x0], $0xffff;
	v16 =	vor.u32 v1, v3;
	v7 =	vadd.f32 v4, v7  }
0x55: {  	v14 =	vmov s31;
	v19 =	vor.u32 v1, v13;
	v17 =	vld.idx.msk [tilespmem:v6+s23+$0x0], $0xffff;
	v4 =	vbroadcast v12, $0x0  }
0x56: {  	s18 =	simm.s32 $0x8;
	v22 =	vld [tilespmem:s0+$0x0];
	v12 =	vand.u32 $0x3F, v14;
	v9 =	vadd.f32 v11, v9;
	v13 =	vmul.f32 $2.000000030e-01, v7  }
0x57: {  	v21 =	vmov s18;
	s31 =	simm.s32 $0x6560;
	v3 =	vld [tilespmem:s0+$0x10];
	v11 =	vbroadcast v12, $0x0;
	v23 =	vadd.f32 v5, v10  }
0x58: {  	s1 =	simm.s32 $0xA;
	v6 =	vor.u32 v1, v4;
	v4 =	vld [tilespmem:s31+$0xFFFFFFE0];
	v12 =	vmax.f32 v7, v13;
	v13 =	vmul.f32 $2.000000030e-01, v9  }
0x59: {  	v14 =	vmov s1;
	v10 =	vor.u32 v1, v11;
	v7 =	vld.idx.msk [tilespmem:v16+s22+$0x0], $0xffff;
	v8 =	vmul.f32 v12, v8  }
0x5a: {  	s18 =	simm.s32 $0xB;
	v11 =	vld.idx.msk [tilespmem:v16+s23+$0x0], $0xffff;
	v16 =	vmul.f32 $2.000000030e-01, v23;
	v12 =	vmax.f32 v9, v13;
	v13 =	vadd.f32 v17, v15  }
0x5b: {  	v5 =	vmov s18;
	s18 =	simm.s32 $0x9;
	v9 =	vld.idx.msk [tilespmem:v19+s22+$0x0], $0xffff;
	v17 =	vadd.f32 v8, v18;
	v20 =	vmul.f32 v12, v20  }
0x5c: {  	v23 =	vmax.f32 v23, v16;
	v18 =	vmov s18;
	v12 =	vld.idx.msk [tilespmem:v19+s23+$0x0], $0xffff;
	v15 =	vmul.f32 $2.000000030e-01, v13  }
0x5d: {  	s0 =	simm.s32 $0xC;
	v19 =	vand.u32 $0x3C, v21;
	v8 =	vld.idx.msk [tilespmem:v6+s22+$0x0], $0xffff;
	v16 =	vadd.f32 v20, v17;
	v17 =	vmul.f32 v23, v22  }
.LBB2_4:
0x5e: {  	p0 =	slt.u32 s0, $0x3C;
	v19 =	vbroadcast v19, $0x0;
	v14 =	vand.u32 $0x3E, v14;
	v20 =	vld.idx.msk [tilespmem:v6+s23+$0x0], $0xffff;
	v6 =	vmax.f32 v13, v15  }
0x5f: {  	v13 =	vand.u32 $0x3D, v18;
	v15 =	vld.idx.msk [tilespmem:v10+s22+$0x0], $0xffff;
	v16 =	vadd.f32 v17, v16;
	v6 =	vmul.f32 v6, v3  }
0x60: {  	v13 =	vbroadcast v13, $0x0;
	v7 =	vadd.f32 v11, v7;
	v17 =	vor.u32 v1, v19;
	v18 =	vld.idx.msk [tilespmem:v10+s23+$0x0], $0xffff  }
0x61: {  	v5 =	vand.u32 $0x3F, v5;
	v10 =	vbroadcast v14, $0x0;
	v3 =	vld [tilespmem:s31+$0x10];
	v16 =	vadd.f32 v6, v16  }
0x62: {  	v19 =	vor.u32 v1, v13;
	v11 =	vmul.f32 $2.000000030e-01, v7;
	v9 =	vadd.f32 v12, v9;
	v12 =	vld [tilespmem:s31+$0xFFFFFFF0]  }
0x63: {  	v21 =	vmov s0;
	v6 =	vor.u32 v1, v10;
	v10 =	vbroadcast v5, $0x0;
	v22 =	vld [tilespmem:s31+$0x0];
	s31 =	sadd.s32 $0x40, s31  }
0x64: {  	s1 =	sadd.s32 $0x3, s0;
	v11 =	vmax.f32 v7, v11;
	v13 =	vmul.f32 $2.000000030e-01, v9;
	v8 =	vadd.f32 v20, v8;
	v23 =	vld [tilespmem:s31+$0xFFFFFFE0]  }
.Ltmp0:
0x65: {  	v5 =	vmov s1;
	v10 =	vor.u32 v1, v10;
	v4 =	vmul.f32 v11, v4;
	v7 =	vld.idx.msk [tilespmem:v17+s22+$0x0], $0xffff;
	(pc) =	sbr.rel @p0 .LBB2_4-.Ltmp0, $4  }
0x66: {  	s1 =	sadd.s32 $0x2, s0;
	v20 =	vmul.f32 $2.000000030e-01, v8;
	v11 =	vld.idx.msk [tilespmem:v17+s23+$0x0], $0xffff;
	v17 =	vmax.f32 v9, v13;
	v13 =	vadd.f32 v18, v15  }
0x67: {  	s18 =	sadd.s32 $0x1, s0;
	v14 =	vmov s1;
	v24 =	vadd.f32 v4, v16;
	v9 =	vld.idx.msk [tilespmem:v19+s22+$0x0], $0xffff;
	v16 =	vmul.f32 v17, v12  }
0x68: {  	v18 =	vmov s18;
	v17 =	vmax.f32 v8, v20;
	v12 =	vld.idx.msk [tilespmem:v19+s23+$0x0], $0xffff;
	v15 =	vmul.f32 $2.000000030e-01, v13  }
0x69: {  	s0 =	sadd.s32 $0x4, s0;
	v19 =	vand.u32 $0x3C, v21;
	v17 =	vmul.f32 v17, v22;
	v8 =	vld.idx.msk [tilespmem:v6+s22+$0x0], $0xffff;
	v16 =	vadd.f32 v16, v24;
	v4 =	vmovc v23  }
0x6a: {  	_ =	sdelay $0x3  }
0x6b: {  	v19 =	vbroadcast v19, $0x0;
	v6 =	vld.idx.msk [tilespmem:v6+s23+$0x0], $0xffff  }
0x6c: {  	v18 =	vand.u32 $0x3D, v18;
	v20 =	vld.idx.msk [tilespmem:v10+s22+$0x0], $0xffff  }
0x6d: {  	v49 =	vld.idx.msk [tilespmem:v10+s23+$0x0], $0xffff;
	v18 =	vbroadcast v18, $0x0;
	v19 =	vor.u32 v1, v19  }
0x6e: {  	v14 =	vand.u32 $0x3E, v14;
	v21 =	vld [tilespmem:s31+$0x10]  }
0x6f: {  	v22 =	vld [tilespmem:s31+$0xFFFFFFF0];
	v14 =	vbroadcast v14, $0x0;
	v18 =	vor.u32 v1, v18  }
0x70: {  	v5 =	vand.u32 $0x3F, v5;
	v50 =	vld [tilespmem:s31+$0x0];
	s0 =	sadd.s32 $0x40, s31;
	v7 =	vadd.f32 v11, v7  }
0x71: {  	v5 =	vbroadcast v5, $0x0;
	v23 =	vld [tilespmem:s0+$0xFFFFFFE0];
	v14 =	vor.u32 v1, v14  }
0x72: {  	v13 =	vmax.f32 v13, v15;
	v51 =	vmul.f32 $2.000000030e-01, v7;
	v9 =	vadd.f32 v12, v9;
	v52 =	vld.idx.msk [tilespmem:v19+s22+$0x0], $0xffff  }
0x73: {  	v16 =	vadd.f32 v17, v16;
	v3 =	vmul.f32 v13, v3;
	v5 =	vor.u32 v1, v5;
	v53 =	vld.idx.msk [tilespmem:v19+s23+$0x0], $0xffff  }
0x74: {  	v7 =	vmax.f32 v7, v51;
	v54 =	vmul.f32 $2.000000030e-01, v9;
	v6 =	vadd.f32 v6, v8;
	v8 =	vld.idx.msk [tilespmem:v18+s22+$0x0], $0xffff  }
0x75: {  	v3 =	vadd.f32 v3, v16;
	v4 =	vmul.f32 v7, v4;
	v7 =	vld.idx.msk [tilespmem:v18+s23+$0x0], $0xffff  }
0x76: {  	v10 =	vadd.f32 v49, v20;
	v9 =	vmax.f32 v9, v54;
	v55 =	vmul.f32 $2.000000030e-01, v6;
	v56 =	vld.idx.msk [tilespmem:v14+s22+$0x0], $0xffff  }
0x77: {  	v3 =	vadd.f32 v4, v3;
	v4 =	vmul.f32 v9, v22;
	v57 =	vld.idx.msk [tilespmem:v14+s23+$0x0], $0xffff  }
0x78: {  	v58 =	vmul.f32 $2.000000030e-01, v10;
	v59 =	vld.idx.msk [tilespmem:v5+s22+$0x0], $0xffff;
	v6 =	vmax.f32 v6, v55;
	v12 =	vadd.f32 v53, v52  }
0x79: {  	v5 =	vld.idx.msk [tilespmem:v5+s23+$0x0], $0xffff;
	v3 =	vadd.f32 v4, v3;
	v4 =	vmul.f32 v6, v50  }
0x7a: {  	v6 =	vmax.f32 v10, v58;
	v7 =	vadd.f32 v7, v8;
	v8 =	vld [tilespmem:s0+$0xFFFFFFF0];
	v60 =	vmul.f32 $2.000000030e-01, v12  }
0x7b: {  	v3 =	vadd.f32 v4, v3;
	v4 =	vmul.f32 v6, v21  }
0x7c: {  	v6 =	vld [tilespmem:s0+$0x0];
	v9 =	vadd.f32 v57, v56;
	v61 =	vmul.f32 $2.000000030e-01, v7;
	v10 =	vmax.f32 v12, v60  }
0x7d: {  	v3 =	vadd.f32 v4, v3;
	v4 =	vmul.f32 v10, v23  }
0x7e: {  	v62 =	vld [tilespmem:s0+$0x10];
	v5 =	vadd.f32 v5, v59;
	v63 =	vmul.f32 $2.000000030e-01, v9;
	v7 =	vmax.f32 v7, v61  }
0x7f: {  	v3 =	vadd.f32 v4, v3;
	v4 =	vmul.f32 v7, v8  }
0x80: {  	v7 =	vmax.f32 v9, v63;
	v8 =	vmul.f32 $2.000000030e-01, v5  }
0x81: {  	v3 =	vadd.f32 v4, v3;
	v4 =	vmul.f32 v7, v6  }
0x82: {  	v5 =	vmax.f32 v5, v8  }
0x83: {  	v3 =	vadd.f32 v4, v3;
	v4 =	vmul.f32 v5, v62;
	_ =	sdelay $0x1  }
0x84: {  	s1 =	simm.s32 $0x0;
	v3 =	vadd.f32 v4, v3  }
0x85: {  	v4 =	vmov s1  }
0x86: {  	v5 =	vand.u32 $0x38, v4;
	v3 =	vmul.f32 $1.442695020e+00, v3  }
0x87: {  	v4 =	vand.u32 $0x4, v4;
	v6 =	vor.u32 v1, v5  }
0x88: {  	(erf) = vpow2.f32 v3;
	v3 =	vor.u32 v4, v6;
	_ =	sdelay $0x3  }
0x89: {  	v2 =	vmul.u32 $0x48, v2;
	s18 =	simm.s32 $0x1  }
0x8a: {  	v6 =	vld.idx.msk [tilespmem:v3+s22+$0x0], $0xffff;
	v3 =	vmov s18  }
0x8b: {  	v5 =	vadd.s32 v2, v5;
	v7 =	vand.u32 $0x38, v3  }
0x8c: {  	v4 =	vor.u32 v4, v5;
	v5 =	vand.u32 $0x5, v3;
	v3 =	vor.u32 v1, v7;
	_ =	sdelay $0x1  }
0x8d: {  	v8 =	vor.u32 v5, v3  }
0x8e: {  	v3 =	vpop (erf)  }
0x8f: {  	v6 =	vmul.f32 v6, v3;
	_ =	sdelay $0x1  }
0x90: {  	s1 =	simm.s32 $0x2;
	[tilespmem:v4+s20+$0x0] =	vst.idx.msk $0xffff, v6  }
0x91: {  	v6 =	vmov s1;
	v4 =	vld.idx.msk [tilespmem:v8+s22+$0x0], $0xffff  }
0x92: {  	v7 =	vadd.s32 v2, v7;
	v8 =	vand.u32 $0x38, v6  }
0x93: {  	v5 =	vor.u32 v5, v7;
	v6 =	vand.u32 $0x6, v6;
	v7 =	vor.u32 v1, v8  }
0x94: {  	v7 =	vor.u32 v6, v7;
	_ =	sdelay $0x1  }
0x95: {  	v4 =	vmul.f32 v4, v3;
	_ =	sdelay $0x1  }
0x96: {  	s18 =	simm.s32 $0x3;
	[tilespmem:v5+s20+$0x0] =	vst.idx.msk $0xffff, v4  }
0x97: {  	v5 =	vmov s18;
	v4 =	vld.idx.msk [tilespmem:v7+s22+$0x0], $0xffff  }
0x98: {  	v7 =	vadd.s32 v2, v8;
	v8 =	vand.u32 $0x38, v5  }
0x99: {  	v5 =	vand.u32 $0x7, v5;
	v6 =	vor.u32 v6, v7;
	v7 =	vor.u32 v1, v8  }
0x9a: {  	v7 =	vor.u32 v5, v7;
	_ =	sdelay $0x1  }
0x9b: {  	v4 =	vmul.f32 v4, v3;
	_ =	sdelay $0x1  }
0x9c: {  	s31 =	simm.s32 $0x4;
	[tilespmem:v6+s20+$0x0] =	vst.idx.msk $0xffff, v4  }
0x9d: {  	v4 =	vadd.s32 v2, v8;
	v6 =	vmov s31;
	v7 =	vld.idx.msk [tilespmem:v7+s22+$0x0], $0xffff  }
0x9e: {  	v5 =	vor.u32 v5, v4;
	v4 =	vand.u32 $0x38, v6  }
0x9f: {  	v8 =	vand.u32 $0x4, v6;
	v6 =	vor.u32 v1, v4  }
0xa0: {  	v6 =	vor.u32 v8, v6  }
0xa1: {  	v4 =	vadd.s32 v2, v4  }
0xa2: {  	s0 =	simm.s32 $0x8;
	v4 =	vor.u32 v8, v4;
	v7 =	vmul.f32 v7, v3  }
.LBB2_6:
0xa3: {  	_ = 	snop  }
0xa4: {  	p0 =	slt.u32 s0, $0x3C;
	s1 =	smov.u32 s0;
	s0 =	sadd.s32 $0x4, s0;
	[tilespmem:v5+s20+$0x0] =	vst.idx.msk $0xffff, v7  }
0xa5: {  	s18 =	sadd.s32 $0x1, s31;
	v5 =	vld.idx.msk [tilespmem:v6+s22+$0x0], $0xffff  }
0xa6: {  	v6 =	vmov s18  }
0xa7: {  	v7 =	vand.u32 $0x38, v6  }
0xa8: {  	v6 =	vand.u32 $0x5, v6;
	v8 =	vor.u32 v1, v7;
	v7 =	vadd.s32 v2, v7  }
0xa9: {  	v8 =	vor.u32 v6, v8;
	v6 =	vor.u32 v6, v7;
	_ =	sdelay $0x1  }
0xaa: {  	v5 =	vmul.f32 v5, v3;
	_ =	sdelay $0x1  }
0xab: {  	[tilespmem:v4+s20+$0x0] =	vst.idx.msk $0xffff, v5  }
0xac: {  	s18 =	sadd.s32 $0x2, s31;
	v4 =	vld.idx.msk [tilespmem:v8+s22+$0x0], $0xffff  }
0xad: {  	v5 =	vmov s18  }
0xae: {  	v7 =	vand.u32 $0x38, v5  }
0xaf: {  	v5 =	vand.u32 $0x6, v5;
	v8 =	vor.u32 v1, v7;
	v7 =	vadd.s32 v2, v7  }
0xb0: {  	v8 =	vor.u32 v5, v8;
	v7 =	vor.u32 v5, v7;
	_ =	sdelay $0x1  }
0xb1: {  	v4 =	vmul.f32 v4, v3;
	_ =	sdelay $0x1  }
0xb2: {  	[tilespmem:v6+s20+$0x0] =	vst.idx.msk $0xffff, v4  }
0xb3: {  	s18 =	sadd.s32 $0x3, s31;
	s31 =	smov.u32 s1;
	v4 =	vld.idx.msk [tilespmem:v8+s22+$0x0], $0xffff  }
0xb4: {  	v5 =	vmov s18  }
0xb5: {  	v6 =	vand.u32 $0x38, v5  }
0xb6: {  	v5 =	vand.u32 $0x7, v5;
	v8 =	vor.u32 v1, v6;
	v6 =	vadd.s32 v2, v6  }
0xb7: {  	v8 =	vor.u32 v5, v8;
	v5 =	vor.u32 v5, v6;
	_ =	sdelay $0x1  }
0xb8: {  	v4 =	vmul.f32 v4, v3;
	_ =	sdelay $0x1  }
0xb9: {  	[tilespmem:v7+s20+$0x0] =	vst.idx.msk $0xffff, v4  }
0xba: {  	v7 =	vld.idx.msk [tilespmem:v8+s22+$0x0], $0xffff  }
0xbb: {  	v4 =	vmov s31  }
.Ltmp1:
0xbc: {  	v6 =	vand.u32 $0x38, v4;
	(pc) =	sbr.rel @p0 .LBB2_6-.Ltmp1, $3  }
0xbd: {  	v4 =	vand.u32 $0x4, v4;
	v8 =	vor.u32 v1, v6;
	v9 =	vadd.s32 v2, v6  }
0xbe: {  	v6 =	vor.u32 v4, v8;
	v4 =	vor.u32 v4, v9;
	_ =	sdelay $0x1  }
0xbf: {  	v7 =	vmul.f32 v7, v3  }
0xc0: {  	_ =	sdelay $0x3  }
0xc1: {  	s0 =	sadd.s32 $0x1, s31;
	[tilespmem:v5+s20+$0x0] =	vst.idx.msk $0xffff, v7  }
0xc2: {  	v55 =	vmov s0;
	v5 =	vld.idx.msk [tilespmem:v6+s22+$0x0], $0xffff  }
0xc3: {  	v56 =	vand.u32 $0x38, v55  }
0xc4: {  	v6 =	vand.u32 $0x5, v55;
	v8 =	vor.u32 v1, v56  }
0xc5: {  	v8 =	vor.u32 v6, v8;
	_ =	sdelay $0x1  }
0xc6: {  	v5 =	vmul.f32 v5, v3;
	_ =	sdelay $0x1  }
0xc7: {  	s18 =	sadd.s32 $0x2, s31;
	[tilespmem:v4+s20+$0x0] =	vst.idx.msk $0xffff, v5  }
0xc8: {  	v57 =	vmov s18;
	v4 =	vld.idx.msk [tilespmem:v8+s22+$0x0], $0xffff  }
0xc9: {  	v58 =	vand.u32 $0x38, v57;
	v7 =	vadd.s32 v2, v56  }
0xca: {  	v59 =	vor.u32 v1, v58;
	v6 =	vor.u32 v6, v7;
	v5 =	vand.u32 $0x6, v57  }
0xcb: {  	v7 =	vor.u32 v5, v59;
	_ =	sdelay $0x1  }
0xcc: {  	v4 =	vmul.f32 v4, v3;
	_ =	sdelay $0x1  }
0xcd: {  	s31 =	sadd.s32 $0x3, s31;
	[tilespmem:v6+s20+$0x0] =	vst.idx.msk $0xffff, v4  }
0xce: {  	v60 =	vmov s31;
	v4 =	vld.idx.msk [tilespmem:v7+s22+$0x0], $0xffff  }
0xcf: {  	v62 =	vand.u32 $0x38, v60;
	v61 =	vadd.s32 v2, v58  }
0xd0: {  	v1 =	vor.u32 v1, v62;
	v5 =	vor.u32 v5, v61;
	v6 =	vand.u32 $0x7, v60  }
0xd1: {  	v1 =	vor.u32 v6, v1;
	_ =	sdelay $0x1  }
0xd2: {  	v4 =	vmul.f32 v4, v3;
	_ =	sdelay $0x1  }
0xd3: {  	[tilespmem:v5+s20+$0x0] =	vst.idx.msk $0xffff, v4  }
0xd4: {  	v1 =	vld.idx.msk [tilespmem:v1+s22+$0x0], $0xffff  }
0xd5: {  	v63 =	vadd.s32 v2, v62  }
0xd6: {  	s30 =	sadd.s32 $0x1, s30;
	v4 =	vor.u32 v6, v63  }
0xd7: {  	p0 =	sne.s32 s30, $0x8;
	v2 =	vadd.s32 $0x40, v2  }
.Ltmp2:
0xd8: {  	_ = 	snop;
	(pc) =	sbr.rel @p0 .LBB2_3-.Ltmp2, $3  }
0xd9: {  	v1 =	vmul.f32 v1, v3;
	_ =	sdelay $0x1  }
0xda: {  	[tilespmem:v4+s20+$0x0] =	vst.idx.msk $0xffff, v1  }
0xdb: {  	[tilespmem:v2+s20+$0x0] =	vst.idx.msk $0xffff, v3  }
0xdc: {  	s28 =	sadd.s32 $0x1, s28  }
0xdd: {  	p0 =	sne.s32 s28, $0x2A  }
.Ltmp3:
0xde: {  	_ = 	snop;
	(pc) =	sbr.rel @p0 .LBB2_2-.Ltmp3, $4  }
0xdf: {  	[spmem:s3] =	stream.indirect.scatter.add.f32 [tilespmem:s20], [sflag:$0x3], $0x48, s21, s21, $0xb8;
	[tilespmem:$0x11910] =	vst v63  }
0xe0: {  	_ =	swait.ge [sflag:s19], $0x2400  }
0xe1: {  	[sflag:s19] =	ssyncset.done $0x0  }
0xe2: {  	[sflag:s19] =	ssyncadd.s32 $0xFFFFDC00  }
0xe3: {  	s26 =	sadd.s32 $0x1, s26  }
0xe4: {  	s0 =	sshll.u32 s2, $0x6;
	[bflag:$0x0] =	sbarrier.arrive $0xFFFF;
	p0 =	sne.s32 s26, s17  }
.Ltmp4:
0xe5: {  	s1 =	sshrl.u32 s10, $0x3;
	s0 =	sor.u32 $0x1C03, s0;
	(pc) =	sbr.rel @p0 .LBB2_1-.Ltmp4, $4  }
0xe6: {  	[hbm:s16], [sflag:s0] =	dma.local [spmem:s1], $0x1602  }
0xe7: {  	_ =	swait.ge [sflag:s19], $0x1602  }
0xe8: {  	[sflag:s19] =	ssyncset.done $0x0  }
0xe9: {  	[sflag:s19] =	ssyncadd.s32 $0xFFFFE9FE  }
0xea: {  	_ =	sfence.sel $0x180000  }
0xeb: {  	[bflag:$0x0] =	sbarrier.arrive $0xFFFF  }
0xec: {  	_ =	strace $0x9000004A  }
0xed: {  	[bflag:$0x2] =	sbarrier.arrive $0xFFFF  }
0xee: {  	p0 =	sne.s32 s2, $0x0;
	s0 =	rddreg [dreg:$0x3]  }
0xef: {  	s0 =	sadd.s32 @!p0 $0x100000, s0  }
0xf0: {  	[sflag:s0] =	ssyncadd.tile.s32 @!p0 $0x1;
	_ =	shalt  }
.Lfunc_end2:
_tile_overlayer_lowered:
.L_overlay_start_2:
0xf1: {  	(tag) =	ssettag $0x2  }
0xf2: {  	s0 =	rddreg [dreg:$0x0];
	s2 =	stileid.u32  }
0xf3: {  	s1 =	rddreg [dreg:$0x1];
	p0 =	sne.s32 s2, $0x0  }
0xf4: {  	s3 =	rddreg [dreg:$0x2];
	[bflag:$0x3] =	sbarrier.arrive $0xFFFF;
	s2 =	simm.s32 @!p0 $0x1C03  }
0xf5: {  	[timem:s3], [sflag:s2] =	dma.local @!p0 [hbm:s0], s1  }
0xf6: {  	s0 =	simm.s32 @!p0 $0x3  }
0xf7: {  	_ =	swait.ge @!p0 [sflag:s0], s1  }
0xf8: {  	s1 =	ssub.s32 @!p0 $0x0, s1;
	[sflag:s0] =	ssyncset.done @!p0 $0x0  }
0xf9: {  	[sflag:s0] =	ssyncadd.s32 @!p0 s1  }
0xfa: {  	[bflag:$0x3] =	sbarrier.arrive $0xFFFF  }
0xfb: {  	_ =	shalt  }

// kernel: kernel.7.cloned.1.call-start
scs
__scs_entry_jumppad:
0x0: {  	(pc) =	sbr.rel $0x88, $3  }
0x1: {  	(tag) =	ssettag $0x0;
	lr =	simm.s32 $0x1  }
0x2: {  	[smem:$0x3F8F] =	sst lr;
	_ =	strace $0xD0000000  }
0x3: {  	_ = 	snop  }
0x4: {  	_ = 	snop  }
0x5: {  	_ = 	snop  }
0x6: {  	_ = 	snop  }
0x7: {  	_ = 	snop  }
__scs_overlays_trampoline_lowered:
0x8: {  	[smem:$0x3F9E] =	sst s0  }
0x9: {  	[smem:$0x3F9F] =	sst s1  }
0xa: {  	[smem:$0x3FA0] =	sst s2  }
0xb: {  	[smem:$0x3FA1] =	sst s3  }
0xc: {  	[smem:$0x3FA2] =	sst s4  }
0xd: {  	[smem:$0x3FA3] =	sst s5  }
0xe: {  	[smem:$0x3FA4] =	sst s6  }
0xf: {  	[smem:$0x3FA5] =	sst s7  }
0x10: {  	[smem:$0x3FA6] =	sst s8  }
0x11: {  	[smem:$0x3FA7] =	sst s9;
	s0 =	simm.s32 @!p0 $0x0  }
0x12: {  	s1 =	sld [smem:$0x3F8D];
	s0 =	simm.s32 @p0 $0x1  }
0x13: {  	[smem:$0x3FA8] =	sst s0;
	s0 =	simm.s32 @!p1 $0x0  }
0x14: {  	s2 =	sld [smem:$0x3F8C];
	s0 =	simm.s32 @p1 $0x1  }
0x15: {  	[smem:$0x3FA9] =	sst s0;
	s0 =	simm.s32 @!p2 $0x0  }
0x16: {  	s3 =	sld [smem:$0x3FDB];
	s0 =	simm.s32 @p2 $0x1  }
0x17: {  	s4 =	simm.s32 $0x1BF5;
	[smem:$0x3FAB] =	sst s0  }
0x18: {  	s0 =	sld [smem:$0x3F8E];
	_ =	swait.ge [sflag:s4], $0x0  }
0x19: {  	s7 =	sld [smem:$0x3F8F]  }
0x1a: {  	s8 =	sadd.s32 $0xFFFFE003, lr  }
0x1b: {  	s9 =	sadd.s32 $0xFFFFFEF7, lr;
	s5 =	simm.s32 $0xFFFFFFFF;
	p2 =	slt.u32 s8, $0xFFFFF086  }
0x1c: {  	p1 =	slt.u32 s9, $0xF7A;
	s5 =	simm.s32 @!p2 $0x0  }
0x1d: {  	s5 =	simm.s32 @p1 $0x1;
	p0 =	seq.s32 s7, s2  }
0x1e: {  	s7 =	smul.u32 @!p0 $0xF7A, s2;
	p2 =	seq.s32 @!p0 s5, $0x0  }
0x1f: {  	s9 =	smul.u32 $0xF7A, s1;
	s8 =	simm.s32 @!p0 $0x1BF5;
	p2 =	por !p2, p0  }
0x20: {  	[sflag:s8] =	ssyncset.s32 @!p0 $0xFFFFF086;
	s6 =	sadd.s32 @!p0 s3, s7;
	s7 =	simm.s32 @!p0 $0x108  }
0x21: {  	s3 =	sadd.s32 s3, s9;
	s6 =	sadd.s32 @!p0 $0x88, s6;
	s7 =	simm.s32 @p2 $0x1082  }
0x22: {  	[simem:s7], [sflag:s8] =	dma.local @!p0 [hbm:s6], $0xF7A  }
0x23: {  	s9 =	sor.u32 $0xD0000000, s2;
	s6 =	simm.s32 $0x108;
	_ =	swait.ge @!p0 [sflag:s8], $0x0  }
0x24: {  	s3 =	sadd.s32 $0x88, s3;
	s6 =	simm.s32 @!p1 $0x1082;
	[sflag:s4] =	ssyncset.s32 $0xFFFFF086  }
0x25: {  	[simem:s6], [sflag:s4] =	dma.local [hbm:s3], $0xF7A  }
0x26: {  	[smem:$0x3F8F] =	sst s1;
	(tag) =	ssettag s2;
	_ =	strace s9  }
0x27: {  	s1 =	sld [smem:$0x3F9F]  }
0x28: {  	s2 =	sld [smem:$0x3FA0]  }
0x29: {  	s4 =	sld [smem:$0x3FA2]  }
0x2a: {  	p0 =	seq.s32 s5, $0x0;
	s5 =	sld [smem:$0x3FA3]  }
0x2b: {  	s6 =	sld [smem:$0x3FA4]  }
0x2c: {  	s7 =	sld [smem:$0x3FA5]  }
0x2d: {  	s3 =	simm.s32 $0x108;
	s8 =	sld [smem:$0x3FA6]  }
0x2e: {  	s3 =	simm.s32 @!p0 $0x1082;
	s9 =	sld [smem:$0x3FA7]  }
0x2f: {  	lr =	sadd.s32 s0, s3;
	s0 =	sld [smem:$0x3F9E]  }
0x30: {  	s3 =	sld [smem:$0x3FA1]  }
0x31: {  	[smem:$0x3FAA] =	sst s10  }
0x32: {  	s10 =	sld [smem:$0x3FA8];
	_ =	sdelay $0x3  }
0x33: {  	p0 =	seq.s32 s10, $0x1;
	s10 =	sld [smem:$0x3FAA];
	_ =	sdelay $0x3  }
0x34: {  	[smem:$0x3FAA] =	sst s10  }
0x35: {  	s10 =	sld [smem:$0x3FA9];
	_ =	sdelay $0x3  }
0x36: {  	p1 =	seq.s32 s10, $0x1;
	s10 =	sld [smem:$0x3FAA];
	_ =	sdelay $0x3  }
0x37: {  	[smem:$0x3FAA] =	sst s10  }
0x38: {  	s10 =	sld [smem:$0x3FAB]  }
0x39: {  	_ = 	snop;
	(pc) =	sbr.ind lr, $3  }
0x3a: {  	_ = 	snop  }
0x3b: {  	_ = 	snop  }
0x3c: {  	p2 =	seq.s32 s10, $0x1;
	s10 =	sld [smem:$0x3FAA]  }
0x3d: {  	_ =	shalt  }
0x3e: {  	_ =	shalt  }
0x3f: {  	_ =	shalt  }
0x40: {  	_ =	shalt  }
0x41: {  	_ =	shalt  }
0x42: {  	_ =	shalt  }
0x43: {  	_ =	shalt  }
0x44: {  	_ =	shalt  }
0x45: {  	_ =	shalt  }
0x46: {  	_ =	shalt  }
0x47: {  	_ =	shalt  }
0x48: {  	_ =	shalt  }
0x49: {  	_ =	shalt  }
0x4a: {  	_ =	shalt  }
0x4b: {  	_ =	shalt  }
0x4c: {  	_ =	shalt  }
0x4d: {  	_ =	shalt  }
0x4e: {  	_ =	shalt  }
0x4f: {  	_ =	shalt  }
0x50: {  	_ =	shalt  }
0x51: {  	_ =	shalt  }
0x52: {  	_ =	shalt  }
0x53: {  	_ =	shalt  }
0x54: {  	_ =	shalt  }
0x55: {  	_ =	shalt  }
0x56: {  	_ =	shalt  }
0x57: {  	_ =	shalt  }
0x58: {  	_ =	shalt  }
0x59: {  	_ =	shalt  }
0x5a: {  	_ =	shalt  }
0x5b: {  	_ =	shalt  }
0x5c: {  	_ =	shalt  }
0x5d: {  	_ =	shalt  }
0x5e: {  	_ =	shalt  }
0x5f: {  	_ =	shalt  }
0x60: {  	_ =	shalt  }
0x61: {  	_ =	shalt  }
0x62: {  	_ =	shalt  }
0x63: {  	_ =	shalt  }
0x64: {  	_ =	shalt  }
0x65: {  	_ =	shalt  }
0x66: {  	_ =	shalt  }
0x67: {  	_ =	shalt  }
0x68: {  	_ =	shalt  }
0x69: {  	_ =	shalt  }
0x6a: {  	_ =	shalt  }
0x6b: {  	_ =	shalt  }
0x6c: {  	_ =	shalt  }
0x6d: {  	_ =	shalt  }
0x6e: {  	_ =	shalt  }
0x6f: {  	_ =	shalt  }
0x70: {  	_ =	shalt  }
0x71: {  	_ =	shalt  }
0x72: {  	_ =	shalt  }
0x73: {  	_ =	shalt  }
0x74: {  	_ =	shalt  }
0x75: {  	_ =	shalt  }
0x76: {  	_ =	shalt  }
0x77: {  	_ =	shalt  }
0x78: {  	_ =	shalt  }
0x79: {  	_ =	shalt  }
0x7a: {  	_ =	shalt  }
0x7b: {  	_ =	shalt  }
0x7c: {  	_ =	shalt  }
0x7d: {  	_ =	shalt  }
0x7e: {  	_ =	shalt  }
0x7f: {  	_ =	shalt  }
0x80: {  	_ =	shalt  }
0x81: {  	_ =	shalt  }
0x82: {  	_ =	shalt  }
0x83: {  	_ =	shalt  }
0x84: {  	_ =	shalt  }
0x85: {  	_ =	shalt  }
0x86: {  	_ =	shalt  }
0x87: {  	_ =	shalt  }
.Lfunc_end0:
.L_simem_size_0:
called_computation_lowered:
.L_overlay_start_0:
0x88: {  	s2 =	sld [smem:$0x3FD9]  }
0x89: {  	s3 =	sld [smem:$0x3FFE];
	_ =	sdelay $0x1  }
0x8a: {  	s1 =	srdreg.scid  }
0x8b: {  	s0 =	sand.u32 $0x1, s1  }
0x8c: {  	s14 =	sshll.u32 s0, $0xA;
	s2 =	sadd.s32 s3, s2  }
0x8d: {  	s2 =	sadd.s32 s2, s14  }
0x8e: {  	[smem:$0x3FB6] =	sst s2  }
0x8f: {  	_ = 	snop  }
0x90: {  	s2 =	sld [smem:$0x3FD0];
	_ =	sdelay $0x2  }
0x91: {  	s15 =	simm.s32 $0xA;
	s4 =	simm.s32 $0x10  }
0x92: {  	[smem:s4], [sflag:s15] =	dma.local [hbm:s2], $0x1  }
0x93: {  	_ =	swait.eq [sflag:s15], $0x1  }
0x94: {  	[sflag:s15] =	ssyncset.done $0x0  }
0x95: {  	[sflag:s15] =	ssyncadd.s32 $0xFFFFFFFF  }
0x96: {  	s16 =	sld [smem:$0x11];
	(tm) =	ssettm $0x1  }
0x97: {  	s17 =	sld [smem:$0x3FFB];
	_ =	sdelay $0x3  }
0x98: {  	_ =	strace s17  }
0x99: {  	s3 =	sld [smem:$0x3FFC];
	_ =	sdelay $0x3  }
0x9a: {  	_ =	strace s3  }
0x9b: {  	s3 =	sld [smem:$0x3FFD];
	_ =	sdelay $0x3  }
0x9c: {  	_ =	strace s3  }
0x9d: {  	_ =	strace $0x8FFFFFFF  }
0x9e: {  	s18 =	sld [smem:$0x3FDB];
	_ =	sdelay $0x1  }
0x9f: {  	s19 =	simm.s32 $_scs_section_size  }
0xa0: {  	s5 =	simm.s32 $_size__tile_overlayer_lowered;
	s6 =	simm.s32 $_tile_overlayer_lowered  }
0xa1: {  	s22 =	simm.s32 $0x1BFF;
	s21 =	sshll.u32 s6, $0x1;
	s3 =	sadd.s32 s19, s18  }
0xa2: {  	s7 =	simm.s32 $0x0;
	s20 =	sshll.u32 s5, $0x1;
	s5 =	sadd.s32 s21, s3  }
0xa3: {  	[timem:s7], [sflag:s22] =	dma.local [hbm:s5], s20  }
0xa4: {  	_ =	swait.ge [sflag:s22], s20  }
0xa5: {  	s4 =	ssub.s32 $0x0, s20;
	[sflag:s22] =	ssyncset.done $0x0  }
0xa6: {  	[sflag:s22] =	ssyncadd.s32 s4;
	_ =	sdelay $0x1  }
0xa7: {  	s23 =	simm.s32 $0x1B8B  }
0xa8: {  	_ =	swait.ge [sflag:s23], $0x1  }
0xa9: {  	[sflag:s23] =	ssyncset.done $0x0  }
0xaa: {  	s25 =	simm.s32 $0x1B8E;
	s24 =	sld [smem:$0x3FFE];
	[sflag:s23] =	ssyncadd.s32 $0xFFFFFFFF  }
0xab: {  	s26 =	simm.s32 $execute0_lowered;
	[smem:$0x3FD2] =	sst s25  }
0xac: {  	s5 =	sshll.u32 s26, $0x1;
	_ =	strace $0x80000046;
	[dreg:$0x1] =	wrdreg $0xFFFFFFFF  }
0xad: {  	s28 =	simm.s32 $_size_execute0_lowered;
	s3 =	sadd.s32 s3, s5;
	[dreg:$0x0] =	wrdreg $0x0  }
0xae: {  	s5 =	sshll.u32 s28, $0x1;
	[dreg:$0x2] =	wrdreg s3  }
0xaf: {  	[dreg:$0x3] =	wrdreg s5  }
0xb0: {  	[dreg:$0x4] =	wrdreg $0xC0  }
0xb1: {  	_ =	task [dreg:s7], $0x5FFFF  }
0xb2: {  	[dreg:$0x1] =	wrdreg $0xFFFFFFFF  }
0xb3: {  	[dreg:$0x0] =	wrdreg $0x60  }
0xb4: {  	[dreg:$0x2] =	wrdreg s24  }
0xb5: {  	[dreg:$0x3] =	wrdreg s16  }
0xb6: {  	[dreg:$0x4] =	wrdreg $0x9C200  }
0xb7: {  	[dreg:$0x5] =	wrdreg $0x9  }
0xb8: {  	_ =	task.clear_ibuf [dreg:s7], $0x6FFFF;
	_ =	strace $0x90000046  }
0xb9: {  	s29 =	simm.s32 $0x9;
	_ =	strace $0x80000048  }
0xba: {  	_ =	swait.ge [sflag:s29], $0x1  }
0xbb: {  	[sflag:s29] =	ssyncadd.s32 $0xFFFFFFFF  }
0xbc: {  	_ =	strace $0x90000048  }
0xbd: {  	_ =	sfence  }
0xbe: {  	s30 =	sld [smem:$0x0];
	_ =	sdelay $0x2  }
0xbf: {  	s31 =	sshll.u32 s1, $0xD;
	s1 =	sshrl.u32 s1, $0x2  }
0xc0: {  	s3 =	sand.u32 $0x4000, s31;
	s1 =	sadd.s32 s1, s30  }
0xc1: {  	s0 =	sor.u32 s3, s0;
	s1 =	sshll.u32 s1, $0x11  }
0xc2: {  	s0 =	sor.u32 s1, s0  }
0xc3: {  	s0 =	sadd.s32 $0x8F2B, s0  }
0xc4: {  	[sflag:s0] =	ssyncadd.remote.s32 $0x1  }
0xc5: {  	_ =	sfence.sel $0xFFFF  }
0xc6: {  	[dreg:$0x0] =	wrdreg $0xFFFFFFFF;
	(pc) =	sbr.abs _section_cstart, $3  }
0xc7: {  	[dreg:$0x1] =	wrdreg $0xFFFFFFFF  }
0xc8: {  	_ =	task.clear_ibuf [dreg:s7], $0x2FFFF;
	_ =	strace $0x9FFFFFFF  }
0xc9: {  	(tm) =	ssettm $0x7FFFFFFF  }
tec
execute0_lowered:
.L_overlay_start_1:
0x0: {  	(tag) =	ssettag $0x1  }
0x1: {  	s0 =	rddreg [dreg:$0x0]  }
0x2: {  	s1 =	srdreg.scid;
	s3 =	rddreg [dreg:$0x1]  }
0x3: {  	s17 =	stileid.u32;
	s2 =	rddreg [dreg:$0x2]  }
0x4: {  	s5 =	simm.s32 $0x0;
	s21 =	simm.s32 $0x3;
	s22 =	simm.s32 $0x6120  }
0x5: {  	s23 =	simm.s32 $0xC0;
	s24 =	simm.s32 $0x60;
	s28 =	simm.s32 $0x1  }
0x6: {  	s29 =	simm.s32 $0x2;
	s30 =	simm.s32 $0x0;
	s4 =	smul.u32 $0x272, s17  }
0x7: {  	s1 =	sand.u32 $0x1, s1;
	[smem:$0x7FF] =	sst s5;
	s10 =	smul.u32 $0x53240, s17  }
0x8: {  	s5 =	sadd.s32 $0x1600, s0;
	s6 =	sadd.s32 $0x33000, s0;
	s17 =	smul.u32 $0x2A00, s17  }
0x9: {  	s7 =	sadd.s32 $0x81400, s0;
	s11 =	sadd.s32 $0xBE00, s0;
	s8 =	smul.u32 $0x2720, s1  }
0xa: {  	_ =	strace $0x80000047;
	[dreg:$0x4] =	wrdreg s11;
	s25 =	ssub.s32 $0x2, s1  }
0xb: {  	s1 =	sshll.u32 s1, $0x8;
	s26 =	sshrl.u32 s10, $0x2;
	s4 =	sadd.s32 s4, s8  }
0xc: {  	s31 =	sshrl.u32 s25, $0x1;
	s1 =	sadd.s32 s3, s1;
	s9 =	smul.u32 $0x11, s4  }
0xd: {  	s19 =	ssub.s32 s25, s31;
	[dreg:$0x5] =	wrdreg s1;
	s25 =	simm.s32 $0x120  }
0xe: {  	s4 =	sadd.s32 $0x6A00, s0;
	s0 =	sadd.s32 s9, s0;
	s9 =	sadd.s32 s26, s2  }
0xf: {  	s19 =	smax.u32 s19, $0x1;
	s26 =	simm.s32 $0x3120;
	s11 =	sadd.s32 $0x3300, s9  }
0x10: {  	s12 =	sadd.s32 $0x6600, s9;
	s13 =	sadd.s32 $0x9900, s9;
	s14 =	sadd.s32 $0xCC00, s9  }
0x11: {  	v1 =	vlaneseq.u32;
	v0 =	vmov s8;
	s15 =	sadd.s32 $0xFF00, s9;
	s16 =	sadd.s32 $0x13200, s9;
	s18 =	sadd.s32 $0xCF800, s0  }
.LBB2_1:
0x12: {  	s0 =	simm.s32 $0x0;
	s1 =	rddreg [dreg:$0x5];
	s3 =	simm.s32 $0x9420  }
0x13: {  	[tilespmem:s3], [sflag:$0x3] =	stream.linear.gather [hbm4b:s1+s0], $0x800, $0x38;
	[tilespmem:$0x1E8B0] =	vst v63  }
0x14: {  	_ =	swait.ge [sflag:s21], $0x800  }
0x15: {  	[sflag:s21] =	ssyncset.done $0x0  }
0x16: {  	s20 =	rddreg [dreg:$0x4];
	[sflag:s21] =	ssyncadd.s32 $0xFFFFF800  }
0x17: {  	[tilespmem:s22], [sflag:$0x3] =	stream.linear.gather [hbm4b:s20+s0], $0x3300, $0x38;
	[tilespmem:$0x1E8B0] =	vst v63  }
0x18: {  	_ =	swait.ge [sflag:s21], $0x3300  }
0x19: {  	[sflag:s21] =	ssyncset.done $0x0  }
0x1a: {  	[sflag:s21] =	ssyncadd.s32 $0xFFFFCD00  }
0x1b: {  	[spmem:s9] =	stream.linear.scatter [tilespmem:s22], [sflag:$0x3], $0x3300, $0x38;
	[tilespmem:$0x1E8B0] =	vst v63  }
0x1c: {  	_ =	swait.ge [sflag:s21], $0x3300  }
0x1d: {  	[sflag:s21] =	ssyncset.done $0x0  }
0x1e: {  	[sflag:s21] =	ssyncadd.s32 $0xFFFFCD00  }
0x1f: {  	[spmem:s11] =	stream.linear.scatter [tilespmem:s22], [sflag:$0x3], $0x3300, $0x38;
	[tilespmem:$0x1E8B0] =	vst v63  }
0x20: {  	_ =	swait.ge [sflag:s21], $0x3300  }
0x21: {  	[sflag:s21] =	ssyncset.done $0x0  }
0x22: {  	[sflag:s21] =	ssyncadd.s32 $0xFFFFCD00  }
0x23: {  	[spmem:s12] =	stream.linear.scatter [tilespmem:s22], [sflag:$0x3], $0x3300, $0x38;
	[tilespmem:$0x1E8B0] =	vst v63  }
0x24: {  	_ =	swait.ge [sflag:s21], $0x3300  }
0x25: {  	[sflag:s21] =	ssyncset.done $0x0  }
0x26: {  	[sflag:s21] =	ssyncadd.s32 $0xFFFFCD00  }
0x27: {  	[spmem:s13] =	stream.linear.scatter [tilespmem:s22], [sflag:$0x3], $0x3300, $0x38;
	[tilespmem:$0x1E8B0] =	vst v63  }
0x28: {  	_ =	swait.ge [sflag:s21], $0x3300  }
0x29: {  	[sflag:s21] =	ssyncset.done $0x0  }
0x2a: {  	[sflag:s21] =	ssyncadd.s32 $0xFFFFCD00  }
0x2b: {  	[spmem:s14] =	stream.linear.scatter [tilespmem:s22], [sflag:$0x3], $0x3300, $0x38;
	[tilespmem:$0x1E8B0] =	vst v63  }
0x2c: {  	_ =	swait.ge [sflag:s21], $0x3300  }
0x2d: {  	[sflag:s21] =	ssyncset.done $0x0  }
0x2e: {  	[sflag:s21] =	ssyncadd.s32 $0xFFFFCD00  }
0x2f: {  	[spmem:s15] =	stream.linear.scatter [tilespmem:s22], [sflag:$0x3], $0x3300, $0x38;
	[tilespmem:$0x1E8B0] =	vst v63  }
0x30: {  	_ =	swait.ge [sflag:s21], $0x3300  }
0x31: {  	[sflag:s21] =	ssyncset.done $0x0  }
0x32: {  	[sflag:s21] =	ssyncadd.s32 $0xFFFFCD00  }
0x33: {  	[spmem:s16] =	stream.linear.scatter [tilespmem:s22], [sflag:$0x3], $0x1A90, $0x38;
	[tilespmem:$0x1E8B0] =	vst v63  }
0x34: {  	_ =	swait.ge [sflag:s21], $0x1A90  }
0x35: {  	[sflag:s21] =	ssyncset.done $0x0  }
0x36: {  	[sflag:s21] =	ssyncadd.s32 $0xFFFFE570  }
0x37: {  	s31 =	simm.s32 $0x0;
	[bflag:$0x0] =	sbarrier.arrive $0xFFFF  }
.LBB2_2:
0x38: {  	s0 =	smul.u32 $0x60, s31;
	_ =	sdelay $0x1  }
0x39: {  	s0 =	sadd.s32 s17, s0  }
0x3a: {  	s0 =	sshrl.u32 s0, $0x3  }
0x3b: {  	s1 =	simm.s32 $0x0;
	s3 =	sadd.s32 s4, s0  }
0x3c: {  	[tilespmem:s1], [sflag:$0x3] =	stream.linear.gather [hbm4b:s3+s1], $0x60, $0x38;
	[tilespmem:$0x1E8B0] =	vst v63  }
0x3d: {  	_ =	swait.ge [sflag:s21], $0x60  }
0x3e: {  	[sflag:s21] =	ssyncset.done $0x0  }
0x3f: {  	s0 =	sadd.s32 s5, s0;
	[sflag:s21] =	ssyncadd.s32 $0xFFFFFFA0  }
0x40: {  	[tilespmem:s23], [sflag:$0x3] =	stream.linear.gather [hbm4b:s0+s1], $0x60, $0x38;
	[tilespmem:$0x1E8B0] =	vst v63  }
0x41: {  	_ =	swait.ge [sflag:s21], $0x60  }
0x42: {  	[sflag:s21] =	ssyncset.done $0x0  }
0x43: {  	[sflag:s21] =	ssyncadd.s32 $0xFFFFFFA0  }
0x44: {  	v2 =	vld [tilespmem:$0x0]  }
0x45: {  	v3 =	vld [tilespmem:$0xC0]  }
0x46: {  	v4 =	vld [tilespmem:$0x10]  }
0x47: {  	v5 =	vld [tilespmem:$0xD0]  }
0x48: {  	v6 =	vld [tilespmem:$0x20]  }
0x49: {  	v7 =	vld [tilespmem:$0xE0];
	v2 =	vadd.s32 v0, v2  }
0x4a: {  	[tilespmem:$0x0] =	vst v2;
	v2 =	vadd.s32 v0, v3;
	v3 =	vld [tilespmem:$0x30]  }
0x4b: {  	v60 =	vld [tilespmem:$0xF0];
	[tilespmem:$0x60] =	vst v2;
	v2 =	vadd.s32 v0, v4  }
0x4c: {  	v61 =	vld [tilespmem:$0x40];
	[tilespmem:$0x10] =	vst v2;
	v2 =	vadd.s32 v0, v5  }
0x4d: {  	v62 =	vld [tilespmem:$0x100];
	[tilespmem:$0x70] =	vst v2;
	v2 =	vadd.s32 v0, v6  }
0x4e: {  	v63 =	vld [tilespmem:$0x50];
	[tilespmem:$0x20] =	vst v2;
	v2 =	vadd.s32 v0, v7  }
0x4f: {  	[tilespmem:$0x80] =	vst v2;
	v2 =	vadd.s32 v0, v3;
	v3 =	vld [tilespmem:$0x110]  }
0x50: {  	[tilespmem:$0x30] =	vst v2;
	v2 =	vadd.s32 v0, v60  }
0x51: {  	[tilespmem:$0x90] =	vst v2;
	v2 =	vadd.s32 v0, v61  }
0x52: {  	[tilespmem:$0x40] =	vst v2;
	v2 =	vadd.s32 v0, v62  }
0x53: {  	[tilespmem:$0xA0] =	vst v2;
	v2 =	vadd.s32 v0, v63  }
0x54: {  	[tilespmem:$0x50] =	vst v2;
	v2 =	vadd.s32 v0, v3  }
0x55: {  	[tilespmem:$0xB0] =	vst v2  }
0x56: {  	[tilespmem:s25], [sflag:$0x1] =	stream.indirect.gather [hbm4b:s6+s24], $0x80, s1, s24, $0xb8;
	[tilespmem:$0x1E8B0] =	vst v63  }
0x57: {  	_ = 	snop  }
0x58: {  	[tilespmem:s26], [sflag:$0x2] =	stream.indirect.gather [hbm4b:s7+s24], $0x80, s24, s24, $0xb8;
	[tilespmem:$0x1E8B0] =	vst v63  }
0x59: {  	_ =	swait.ge [sflag:s28], $0x3000  }
0x5a: {  	[sflag:s28] =	ssyncset.done $0x0  }
0x5b: {  	[sflag:s28] =	ssyncadd.s32 $0xFFFFD000  }
0x5c: {  	_ =	swait.ge [sflag:s29], $0x3000  }
0x5d: {  	[sflag:s29] =	ssyncset.done $0x0  }
0x5e: {  	s20 =	simm.s32 $0x0;
	[sflag:s29] =	ssyncadd.s32 $0xFFFFD000  }
.LBB2_3:
0x5f: {  	s0 =	sshll.u32 s20, $0x4  }
0x60: {  	v3 =	vor.u32 s0, v1  }
0x61: {  	v2 =	vshll.u32 v3, $0x7  }
0x62: {  	v5 =	vor.u32 s1, v2  }
0x63: {  	s8 =	simm.s32 $0x3  }
0x64: {  	v7 =	vor.u32 s8, v2  }
0x65: {  	s10 =	simm.s32 $0x2;
	s0 =	simm.s32 $0x9820  }
0x66: {  	v24 =	vld [tilespmem:s0+$0xFFFFFC30];
	v11 =	vor.u32 s10, v2  }
0x67: {  	s3 =	simm.s32 $0x1;
	v8 =	vld.idx.msk [tilespmem:v5+s25+$0x0], $0xffff  }
0x68: {  	v15 =	vor.u32 s3, v2;
	v5 =	vld.idx.msk [tilespmem:v5+s26+$0x0], $0xffff  }
0x69: {  	v4 =	vor.u32 $0x40, v2;
	v12 =	vld.idx.msk [tilespmem:v7+s25+$0x0], $0xffff  }
0x6a: {  	v6 =	vor.u32 s1, v4;
	v7 =	vld.idx.msk [tilespmem:v7+s26+$0x0], $0xffff  }
0x6b: {  	v16 =	vld.idx.msk [tilespmem:v11+s25+$0x0], $0xffff  }
0x6c: {  	v9 =	vor.u32 s8, v4;
	v11 =	vld.idx.msk [tilespmem:v11+s26+$0x0], $0xffff  }
0x6d: {  	v19 =	vld.idx.msk [tilespmem:v15+s25+$0x0], $0xffff  }
0x6e: {  	v13 =	vor.u32 s10, v4;
	v15 =	vld.idx.msk [tilespmem:v15+s26+$0x0], $0xffff  }
0x6f: {  	v10 =	vld.idx.msk [tilespmem:v6+s25+$0x0], $0xffff  }
0x70: {  	v17 =	vor.u32 s3, v4;
	v6 =	vld.idx.msk [tilespmem:v6+s26+$0x0], $0xffff  }
0x71: {  	v14 =	vld.idx.msk [tilespmem:v9+s25+$0x0], $0xffff  }
0x72: {  	v9 =	vld.idx.msk [tilespmem:v9+s26+$0x0], $0xffff  }
0x73: {  	v18 =	vld.idx.msk [tilespmem:v13+s25+$0x0], $0xffff  }
0x74: {  	v13 =	vld.idx.msk [tilespmem:v13+s26+$0x0], $0xffff  }
0x75: {  	s3 =	simm.s32 $0x4;
	v20 =	vld.idx.msk [tilespmem:v17+s25+$0x0], $0xffff  }
0x76: {  	v21 =	vimm.f32 $0.0e+00;
	s8 =	simm.s32 $0x7;
	v22 =	vor.u32 s3, v2;
	v23 =	vor.u32 s3, v4;
	v17 =	vld.idx.msk [tilespmem:v17+s26+$0x0], $0xffff  }
0x77: {  	v26 =	vld [tilespmem:s0+$0x30];
	v25 =	vor.u32 s8, v2;
	v5 =	vadd.f32 v5, v8;
	v12 =	vadd.f32 v7, v12  }
0x78: {  	s10 =	simm.s32 $0x6;
	v27 =	vor.u32 s8, v4;
	v11 =	vadd.f32 v11, v16;
	v6 =	vadd.f32 v6, v10;
	v10 =	vld [tilespmem:s0+$0xFFFFFC00]  }
0x79: {  	v15 =	vadd.f32 v15, v19;
	v8 =	vor.u32 s10, v2;
	v9 =	vadd.f32 v9, v14;
	v14 =	vld [tilespmem:s0+$0x0]  }
0x7a: {  	v13 =	vadd.f32 v13, v18;
	v18 =	vld [tilespmem:s0+$0xFFFFFC10];
	v7 =	vmul.f32 $2.000000030e-01, v5;
	v19 =	vmul.f32 $2.000000030e-01, v12  }
0x7b: {  	v17 =	vadd.f32 v17, v20;
	v20 =	vld [tilespmem:s0+$0x10];
	v28 =	vmul.f32 $2.000000030e-01, v11;
	v16 =	vmul.f32 $2.000000030e-01, v6  }
0x7c: {  	v31 =	vld [tilespmem:s0+$0xFFFFFC20];
	v30 =	vmul.f32 $2.000000030e-01, v15;
	v29 =	vmul.f32 $2.000000030e-01, v9;
	v5 =	vmax.f32 v5, v7  }
0x7d: {  	v33 =	vld [tilespmem:s0+$0x20];
	v7 =	vmax.f32 v6, v16;
	v16 =	vmul.f32 $2.000000030e-01, v17;
	v5 =	vmul.f32 v5, v10  }
0x7e: {  	v32 =	vmul.f32 $2.000000030e-01, v13;
	v6 =	vld.idx.msk [tilespmem:v22+s25+$0x0], $0xffff;
	v14 =	vmul.f32 v7, v14;
	v7 =	vmax.f32 v15, v30  }
0x7f: {  	v10 =	vld.idx.msk [tilespmem:v22+s26+$0x0], $0xffff;
	v15 =	vmul.f32 v7, v18;
	v16 =	vmax.f32 v17, v16;
	v5 =	vadd.f32 v5, v21  }
0x80: {  	v17 =	vmax.f32 v11, v28;
	v7 =	vld.idx.msk [tilespmem:v23+s25+$0x0], $0xffff;
	v14 =	vadd.f32 v14, v21;
	v16 =	vmul.f32 v16, v20  }
0x81: {  	v13 =	vmax.f32 v13, v32;
	v11 =	vld.idx.msk [tilespmem:v23+s26+$0x0], $0xffff;
	v17 =	vmul.f32 v17, v31;
	v5 =	vadd.f32 v15, v5  }
0x82: {  	v18 =	vmax.f32 v12, v19;
	v12 =	vld.idx.msk [tilespmem:v25+s25+$0x0], $0xffff;
	v15 =	vadd.f32 v16, v14;
	v16 =	vmul.f32 v13, v33  }
0x83: {  	v9 =	vmax.f32 v9, v29;
	v13 =	vld.idx.msk [tilespmem:v25+s26+$0x0], $0xffff;
	v5 =	vadd.f32 v17, v5;
	v17 =	vor.u32 s10, v4  }
0x84: {  	s8 =	simm.s32 $0x5;
	v63 =	vmul.f32 v9, v26;
	v19 =	vmul.f32 v18, v24;
	v14 =	vld.idx.msk [tilespmem:v27+s25+$0x0], $0xffff;
	v20 =	vadd.f32 v16, v15  }
0x85: {  	v18 =	vor.u32 s8, v2;
	v15 =	vld.idx.msk [tilespmem:v27+s26+$0x0], $0xffff  }
0x86: {  	s3 =	simm.s32 $0x8;
	v16 =	vld.idx.msk [tilespmem:v8+s25+$0x0], $0xffff;
	v9 =	vadd.f32 v19, v5;
	v5 =	vadd.f32 v63, v20  }
.LBB2_4:
0x87: {  	p0 =	slt.u32 s3, $0x3C;
	v19 =	vor.u32 s8, v4;
	v8 =	vld.idx.msk [tilespmem:v8+s26+$0x0], $0xffff  }
0x88: {  	v20 =	vld.idx.msk [tilespmem:v17+s25+$0x0], $0xffff  }
0x89: {  	v17 =	vld.idx.msk [tilespmem:v17+s26+$0x0], $0xffff  }
0x8a: {  	v21 =	vld.idx.msk [tilespmem:v18+s25+$0x0], $0xffff  }
0x8b: {  	v18 =	vld.idx.msk [tilespmem:v18+s26+$0x0], $0xffff  }
0x8c: {  	v22 =	vld.idx.msk [tilespmem:v19+s25+$0x0], $0xffff  }
0x8d: {  	s0 =	sadd.s32 $0x40, s0;
	v19 =	vld.idx.msk [tilespmem:v19+s26+$0x0], $0xffff  }
0x8e: {  	v23 =	vor.u32 s3, v2;
	v24 =	vor.u32 s3, v4;
	s8 =	sadd.s32 $0x3, s3;
	v25 =	vld [tilespmem:s0+$0xFFFFFC30]  }
0x8f: {  	v6 =	vadd.f32 v10, v6;
	v7 =	vadd.f32 v11, v7;
	v26 =	vor.u32 s8, v2;
	v27 =	vld [tilespmem:s0+$0x30]  }
0x90: {  	v28 =	vor.u32 s8, v4;
	v12 =	vadd.f32 v13, v12;
	v14 =	vadd.f32 v15, v14;
	v10 =	vld [tilespmem:s0+$0xFFFFFC00]  }
0x91: {  	v11 =	vmul.f32 $2.000000030e-01, v6;
	v15 =	vadd.f32 v8, v16;
	v16 =	vadd.f32 v17, v20;
	v13 =	vld [tilespmem:s0+$0x0]  }
0x92: {  	v17 =	vmul.f32 $2.000000030e-01, v7;
	v18 =	vadd.f32 v18, v21;
	v21 =	vmul.f32 $2.000000030e-01, v12;
	v20 =	vld [tilespmem:s0+$0xFFFFFC10]  }
0x93: {  	s8 =	sadd.s32 $0x2, s3;
	v30 =	vmul.f32 $2.000000030e-01, v14;
	v29 =	vmul.f32 $2.000000030e-01, v15;
	v19 =	vadd.f32 v19, v22;
	v22 =	vld [tilespmem:s0+$0x10]  }
0x94: {  	v8 =	vor.u32 s8, v2;
	v33 =	vmul.f32 $2.000000030e-01, v16;
	v31 =	vmul.f32 $2.000000030e-01, v18;
	v32 =	vld [tilespmem:s0+$0xFFFFFC20]  }
0x95: {  	v11 =	vmax.f32 v6, v11;
	v7 =	vmax.f32 v7, v17;
	v17 =	vmul.f32 $2.000000030e-01, v19;
	v34 =	vld [tilespmem:s0+$0x20]  }
0x96: {  	v11 =	vmul.f32 v11, v10;
	v6 =	vld.idx.msk [tilespmem:v23+s25+$0x0], $0xffff;
	v13 =	vmul.f32 v7, v13;
	v7 =	vmax.f32 v18, v31  }
0x97: {  	v15 =	vmax.f32 v15, v29;
	v17 =	vmax.f32 v19, v17;
	v10 =	vld.idx.msk [tilespmem:v23+s26+$0x0], $0xffff;
	v18 =	vmul.f32 v7, v20  }
0x98: {  	v9 =	vadd.f32 v11, v9;
	v7 =	vld.idx.msk [tilespmem:v24+s25+$0x0], $0xffff;
	v5 =	vadd.f32 v13, v5;
	v13 =	vmul.f32 v17, v22  }
0x99: {  	v16 =	vmax.f32 v16, v33;
	v19 =	vmax.f32 v12, v21;
	v11 =	vld.idx.msk [tilespmem:v24+s26+$0x0], $0xffff;
	v15 =	vmul.f32 v15, v32  }
.Ltmp0:
0x9a: {  	v9 =	vadd.f32 v18, v9;
	v12 =	vld.idx.msk [tilespmem:v26+s25+$0x0], $0xffff;
	v5 =	vadd.f32 v13, v5;
	v16 =	vmul.f32 v16, v34;
	(pc) =	sbr.rel @p0 .LBB2_4-.Ltmp0, $4  }
0x9b: {  	v19 =	vmul.f32 v19, v25;
	v17 =	vor.u32 s8, v4;
	v18 =	vmax.f32 v14, v30;
	v13 =	vld.idx.msk [tilespmem:v26+s26+$0x0], $0xffff  }
0x9c: {  	s8 =	sadd.s32 $0x1, s3;
	v20 =	vmul.f32 v18, v27;
	v9 =	vadd.f32 v15, v9;
	v14 =	vld.idx.msk [tilespmem:v28+s25+$0x0], $0xffff;
	v5 =	vadd.f32 v16, v5  }
0x9d: {  	v18 =	vor.u32 s8, v2;
	v15 =	vld.idx.msk [tilespmem:v28+s26+$0x0], $0xffff  }
0x9e: {  	s3 =	sadd.s32 $0x4, s3;
	v9 =	vadd.f32 v19, v9;
	v16 =	vld.idx.msk [tilespmem:v8+s25+$0x0], $0xffff;
	v5 =	vadd.f32 v20, v5  }
0x9f: {  	_ =	sdelay $0x3  }
0xa0: {  	v19 =	vld.idx.msk [tilespmem:v18+s25+$0x0], $0xffff  }
0xa1: {  	v49 =	vld.idx.msk [tilespmem:v18+s26+$0x0], $0xffff  }
0xa2: {  	v8 =	vld.idx.msk [tilespmem:v8+s26+$0x0], $0xffff  }
0xa3: {  	v4 =	vor.u32 s8, v4;
	v20 =	vld.idx.msk [tilespmem:v17+s25+$0x0], $0xffff  }
0xa4: {  	s0 =	sadd.s32 $0x40, s0;
	v52 =	vld.idx.msk [tilespmem:v17+s26+$0x0], $0xffff  }
0xa5: {  	v6 =	vadd.f32 v10, v6;
	v10 =	vld [tilespmem:s0+$0xFFFFFC00]  }
0xa6: {  	v50 =	vld [tilespmem:s0+$0xFFFFFC10]  }
0xa7: {  	v23 =	vld [tilespmem:s0+$0xFFFFFC20];
	v22 =	vmul.f32 $2.000000030e-01, v6  }
0xa8: {  	v21 =	vld.idx.msk [tilespmem:v4+s25+$0x0], $0xffff;
	v18 =	vadd.f32 v49, v19  }
0xa9: {  	v7 =	vadd.f32 v11, v7;
	v6 =	vmax.f32 v6, v22;
	v4 =	vld.idx.msk [tilespmem:v4+s26+$0x0], $0xffff;
	v8 =	vadd.f32 v8, v16  }
0xaa: {  	v11 =	vadd.f32 v13, v12;
	v55 =	vld [tilespmem:s0+$0x0];
	v6 =	vmul.f32 v6, v10;
	v51 =	vmul.f32 $2.000000030e-01, v18  }
0xab: {  	v10 =	vld [tilespmem:s0+$0xFFFFFC30];
	v53 =	vmul.f32 $2.000000030e-01, v8  }
0xac: {  	v56 =	vmul.f32 $2.000000030e-01, v11;
	v6 =	vadd.f32 v6, v9;
	v54 =	vmax.f32 v18, v51  }
0xad: {  	v9 =	vmul.f32 $2.000000030e-01, v7;
	v8 =	vmax.f32 v8, v53;
	v13 =	vmul.f32 v54, v50  }
0xae: {  	v4 =	vadd.f32 v4, v21;
	v8 =	vmul.f32 v8, v23  }
0xaf: {  	v57 =	vld [tilespmem:s0+$0x10];
	v7 =	vmax.f32 v7, v9;
	v9 =	vmax.f32 v11, v56;
	v6 =	vadd.f32 v13, v6  }
0xb0: {  	v58 =	vadd.f32 v52, v20;
	v9 =	vmul.f32 v9, v10;
	v10 =	vld [tilespmem:s0+$0x20];
	v7 =	vmul.f32 v7, v55  }
0xb1: {  	v11 =	vmul.f32 $2.000000030e-01, v4;
	v6 =	vadd.f32 v8, v6  }
0xb2: {  	s3 =	simm.s32 $0x0;
	v14 =	vadd.f32 v15, v14;
	v59 =	vmul.f32 $2.000000030e-01, v58;
	v5 =	vadd.f32 v7, v5  }
0xb3: {  	v7 =	vmov s3;
	v4 =	vmax.f32 v4, v11;
	v6 =	vadd.f32 v9, v6;
	v9 =	vld [tilespmem:s0+$0x30]  }
0xb4: {  	v8 =	vmul.f32 $2.000000030e-01, v14;
	v11 =	vmax.f32 v58, v59;
	v4 =	vmul.f32 v4, v57  }
0xb5: {  	v60 =	vand.u32 $0x4, v7;
	v10 =	vmul.f32 v11, v10;
	v6 =	vmul.f32 $1.442695020e+00, v6  }
0xb6: {  	v4 =	vadd.f32 v4, v5;
	v5 =	vand.u32 $0x38, v7;
	v7 =	vor.u32 v2, v60  }
0xb7: {  	v8 =	vmax.f32 v14, v8;
	(erf) = vpow2.f32 v6;
	v6 =	vor.u32 v5, v7  }
0xb8: {  	v4 =	vadd.f32 v10, v4;
	v8 =	vmul.f32 v8, v9;
	_ =	sdelay $0x1  }
0xb9: {  	v4 =	vadd.f32 v8, v4  }
0xba: {  	v3 =	vmul.u32 $0x88, v3  }
0xbb: {  	v6 =	vld.idx.msk [tilespmem:v6+s25+$0x0], $0xffff;
	v4 =	vmul.f32 $1.442695020e+00, v4  }
0xbc: {  	v8 =	vadd.s32 v3, v5  }
0xbd: {  	v5 =	vor.u32 $0x40, v5;
	v8 =	vor.u32 v60, v8  }
0xbe: {  	v7 =	vor.u32 v5, v7;
	(erf) = vpow2.f32 v4  }
0xbf: {  	v4 =	vpop (erf)  }
0xc0: {  	v6 =	vmul.f32 v6, v4;
	_ =	sdelay $0x1  }
0xc1: {  	s3 =	simm.s32 $0x1;
	[tilespmem:v8+s22+$0x0] =	vst.idx.msk $0xffff, v6  }
0xc2: {  	v6 =	vld.idx.msk [tilespmem:v7+s25+$0x0], $0xffff;
	v7 =	vmov s3  }
0xc3: {  	v5 =	vadd.s32 v3, v5;
	v8 =	vand.u32 $0x5, v7  }
0xc4: {  	v9 =	vor.u32 v60, v5;
	v7 =	vand.u32 $0x38, v7;
	v10 =	vor.u32 v2, v8  }
0xc5: {  	v11 =	vor.u32 v7, v10  }
0xc6: {  	v5 =	vpop (erf)  }
0xc7: {  	v6 =	vmul.f32 v6, v5;
	_ =	sdelay $0x1  }
0xc8: {  	[tilespmem:v9+s22+$0x0] =	vst.idx.msk $0xffff, v6  }
0xc9: {  	v6 =	vld.idx.msk [tilespmem:v11+s25+$0x0], $0xffff  }
0xca: {  	v9 =	vadd.s32 v3, v7  }
0xcb: {  	v7 =	vor.u32 $0x40, v7;
	v9 =	vor.u32 v8, v9  }
0xcc: {  	v10 =	vor.u32 v7, v10;
	_ =	sdelay $0x1  }
0xcd: {  	v6 =	vmul.f32 v6, v4;
	_ =	sdelay $0x1  }
0xce: {  	s8 =	simm.s32 $0x2;
	[tilespmem:v9+s22+$0x0] =	vst.idx.msk $0xffff, v6  }
0xcf: {  	v9 =	vmov s8;
	v6 =	vld.idx.msk [tilespmem:v10+s25+$0x0], $0xffff  }
0xd0: {  	v7 =	vadd.s32 v3, v7;
	v10 =	vand.u32 $0x6, v9  }
0xd1: {  	v7 =	vor.u32 v8, v7;
	v8 =	vand.u32 $0x38, v9;
	v9 =	vor.u32 v2, v10  }
0xd2: {  	v11 =	vor.u32 v8, v9;
	_ =	sdelay $0x1  }
0xd3: {  	v6 =	vmul.f32 v6, v5;
	_ =	sdelay $0x1  }
0xd4: {  	[tilespmem:v7+s22+$0x0] =	vst.idx.msk $0xffff, v6  }
0xd5: {  	v6 =	vld.idx.msk [tilespmem:v11+s25+$0x0], $0xffff  }
0xd6: {  	v7 =	vadd.s32 v3, v8  }
0xd7: {  	v8 =	vor.u32 $0x40, v8;
	v7 =	vor.u32 v10, v7  }
0xd8: {  	v9 =	vor.u32 v8, v9;
	_ =	sdelay $0x1  }
0xd9: {  	v6 =	vmul.f32 v6, v4;
	_ =	sdelay $0x1  }
0xda: {  	s10 =	simm.s32 $0x3;
	[tilespmem:v7+s22+$0x0] =	vst.idx.msk $0xffff, v6  }
0xdb: {  	v7 =	vmov s10;
	v6 =	vld.idx.msk [tilespmem:v9+s25+$0x0], $0xffff  }
0xdc: {  	v8 =	vadd.s32 v3, v8;
	v9 =	vand.u32 $0x7, v7  }
0xdd: {  	v8 =	vor.u32 v10, v8;
	v7 =	vand.u32 $0x38, v7;
	v10 =	vor.u32 v2, v9  }
0xde: {  	v11 =	vor.u32 v7, v10;
	_ =	sdelay $0x1  }
0xdf: {  	v6 =	vmul.f32 v6, v5;
	_ =	sdelay $0x1  }
0xe0: {  	[tilespmem:v8+s22+$0x0] =	vst.idx.msk $0xffff, v6  }
0xe1: {  	v6 =	vld.idx.msk [tilespmem:v11+s25+$0x0], $0xffff  }
0xe2: {  	v8 =	vadd.s32 v3, v7  }
0xe3: {  	v7 =	vor.u32 $0x40, v7;
	v8 =	vor.u32 v9, v8  }
0xe4: {  	v10 =	vor.u32 v7, v10;
	_ =	sdelay $0x1  }
0xe5: {  	v6 =	vmul.f32 v6, v4;
	_ =	sdelay $0x1  }
0xe6: {  	s0 =	simm.s32 $0x4;
	[tilespmem:v8+s22+$0x0] =	vst.idx.msk $0xffff, v6  }
0xe7: {  	v6 =	vadd.s32 v3, v7;
	v8 =	vmov s0;
	v11 =	vld.idx.msk [tilespmem:v10+s25+$0x0], $0xffff  }
0xe8: {  	v7 =	vor.u32 v9, v6;
	v6 =	vand.u32 $0x4, v8  }
0xe9: {  	v8 =	vand.u32 $0x38, v8;
	v9 =	vor.u32 v2, v6  }
0xea: {  	v61 =	vadd.s32 v3, v8;
	v62 =	vor.u32 $0x40, v8;
	v10 =	vor.u32 v8, v9  }
0xeb: {  	v8 =	vor.u32 v6, v61;
	v63 =	vadd.s32 v3, v62  }
0xec: {  	s3 =	simm.s32 $0x8;
	v9 =	vor.u32 v62, v9;
	v6 =	vor.u32 v6, v63;
	v11 =	vmul.f32 v11, v5  }
.LBB2_6:
0xed: {  	_ = 	snop  }
0xee: {  	p0 =	slt.u32 s3, $0x3C;
	s8 =	smov.u32 s3;
	s3 =	sadd.s32 $0x4, s3;
	[tilespmem:v7+s22+$0x0] =	vst.idx.msk $0xffff, v11  }
0xef: {  	v7 =	vld.idx.msk [tilespmem:v10+s25+$0x0], $0xffff;
	_ =	sdelay $0x5  }
0xf0: {  	v7 =	vmul.f32 v7, v4;
	_ =	sdelay $0x1  }
0xf1: {  	[tilespmem:v8+s22+$0x0] =	vst.idx.msk $0xffff, v7  }
0xf2: {  	s10 =	sadd.s32 $0x1, s0;
	v7 =	vld.idx.msk [tilespmem:v9+s25+$0x0], $0xffff  }
0xf3: {  	v8 =	vmov s10  }
0xf4: {  	v9 =	vand.u32 $0x5, v8  }
0xf5: {  	v8 =	vand.u32 $0x38, v8;
	v10 =	vor.u32 v2, v9  }
0xf6: {  	v12 =	vadd.s32 v3, v8;
	v11 =	vor.u32 v8, v10;
	v8 =	vor.u32 $0x40, v8  }
0xf7: {  	v12 =	vor.u32 v9, v12;
	v10 =	vor.u32 v8, v10;
	v8 =	vadd.s32 v3, v8  }
0xf8: {  	v8 =	vor.u32 v9, v8;
	v7 =	vmul.f32 v7, v5;
	_ =	sdelay $0x1  }
0xf9: {  	[tilespmem:v6+s22+$0x0] =	vst.idx.msk $0xffff, v7  }
0xfa: {  	v6 =	vld.idx.msk [tilespmem:v11+s25+$0x0], $0xffff;
	_ =	sdelay $0x5  }
0xfb: {  	v6 =	vmul.f32 v6, v4;
	_ =	sdelay $0x1  }
0xfc: {  	[tilespmem:v12+s22+$0x0] =	vst.idx.msk $0xffff, v6  }
0xfd: {  	s10 =	sadd.s32 $0x2, s0;
	v6 =	vld.idx.msk [tilespmem:v10+s25+$0x0], $0xffff  }
0xfe: {  	v7 =	vmov s10  }
0xff: {  	v9 =	vand.u32 $0x6, v7  }
0x100: {  	v7 =	vand.u32 $0x38, v7;
	v10 =	vor.u32 v2, v9  }
0x101: {  	v12 =	vadd.s32 v3, v7;
	v11 =	vor.u32 v7, v10;
	v7 =	vor.u32 $0x40, v7  }
0x102: {  	v12 =	vor.u32 v9, v12;
	v10 =	vor.u32 v7, v10;
	v7 =	vadd.s32 v3, v7  }
0x103: {  	v9 =	vor.u32 v9, v7;
	v6 =	vmul.f32 v6, v5;
	_ =	sdelay $0x1  }
0x104: {  	[tilespmem:v8+s22+$0x0] =	vst.idx.msk $0xffff, v6  }
0x105: {  	v6 =	vld.idx.msk [tilespmem:v11+s25+$0x0], $0xffff;
	_ =	sdelay $0x5  }
0x106: {  	v6 =	vmul.f32 v6, v4;
	_ =	sdelay $0x1  }
0x107: {  	[tilespmem:v12+s22+$0x0] =	vst.idx.msk $0xffff, v6  }
0x108: {  	s10 =	sadd.s32 $0x3, s0;
	s0 =	smov.u32 s8;
	v6 =	vld.idx.msk [tilespmem:v10+s25+$0x0], $0xffff  }
0x109: {  	v7 =	vmov s10  }
0x10a: {  	v8 =	vand.u32 $0x7, v7  }
0x10b: {  	v7 =	vand.u32 $0x38, v7;
	v10 =	vor.u32 v2, v8  }
0x10c: {  	v12 =	vadd.s32 v3, v7;
	v11 =	vor.u32 v7, v10;
	v7 =	vor.u32 $0x40, v7  }
0x10d: {  	v12 =	vor.u32 v8, v12;
	v10 =	vor.u32 v7, v10;
	v7 =	vadd.s32 v3, v7  }
0x10e: {  	v7 =	vor.u32 v8, v7;
	v6 =	vmul.f32 v6, v5;
	_ =	sdelay $0x1  }
0x10f: {  	[tilespmem:v9+s22+$0x0] =	vst.idx.msk $0xffff, v6  }
0x110: {  	v6 =	vld.idx.msk [tilespmem:v11+s25+$0x0], $0xffff;
	_ =	sdelay $0x5  }
0x111: {  	v6 =	vmul.f32 v6, v4;
	_ =	sdelay $0x1  }
0x112: {  	[tilespmem:v12+s22+$0x0] =	vst.idx.msk $0xffff, v6  }
0x113: {  	v11 =	vld.idx.msk [tilespmem:v10+s25+$0x0], $0xffff  }
0x114: {  	v6 =	vmov s0  }
.Ltmp1:
0x115: {  	v12 =	vand.u32 $0x4, v6;
	(pc) =	sbr.rel @p0 .LBB2_6-.Ltmp1, $4  }
0x116: {  	v6 =	vand.u32 $0x38, v6;
	v9 =	vor.u32 v2, v12  }
0x117: {  	v8 =	vadd.s32 v3, v6;
	v10 =	vor.u32 v6, v9;
	v6 =	vor.u32 $0x40, v6  }
0x118: {  	v8 =	vor.u32 v12, v8;
	v9 =	vor.u32 v6, v9;
	v6 =	vadd.s32 v3, v6  }
0x119: {  	v6 =	vor.u32 v12, v6;
	v11 =	vmul.f32 v11, v5  }
0x11a: {  	_ =	sdelay $0x3  }
0x11b: {  	[tilespmem:v7+s22+$0x0] =	vst.idx.msk $0xffff, v11  }
0x11c: {  	v7 =	vld.idx.msk [tilespmem:v10+s25+$0x0], $0xffff;
	_ =	sdelay $0x4  }
0x11d: {  	v7 =	vmul.f32 v7, v4;
	_ =	sdelay $0x1  }
0x11e: {  	s3 =	sadd.s32 $0x1, s0;
	[tilespmem:v8+s22+$0x0] =	vst.idx.msk $0xffff, v7  }
0x11f: {  	v48 =	vmov s3;
	v7 =	vld.idx.msk [tilespmem:v9+s25+$0x0], $0xffff  }
0x120: {  	v49 =	vand.u32 $0x5, v48  }
0x121: {  	v50 =	vor.u32 v2, v49;
	v8 =	vand.u32 $0x38, v48  }
0x122: {  	v51 =	vor.u32 v8, v50;
	_ =	sdelay $0x1  }
0x123: {  	v7 =	vmul.f32 v7, v5;
	_ =	sdelay $0x1  }
0x124: {  	[tilespmem:v6+s22+$0x0] =	vst.idx.msk $0xffff, v7  }
0x125: {  	v6 =	vld.idx.msk [tilespmem:v51+s25+$0x0], $0xffff  }
0x126: {  	v52 =	vadd.s32 v3, v8  }
0x127: {  	v8 =	vor.u32 $0x40, v8;
	v7 =	vor.u32 v49, v52  }
0x128: {  	v10 =	vor.u32 v8, v50;
	_ =	sdelay $0x1  }
0x129: {  	v6 =	vmul.f32 v6, v4;
	_ =	sdelay $0x1  }
0x12a: {  	s8 =	sadd.s32 $0x2, s0;
	[tilespmem:v7+s22+$0x0] =	vst.idx.msk $0xffff, v6  }
0x12b: {  	v53 =	vmov s8;
	v6 =	vld.idx.msk [tilespmem:v10+s25+$0x0], $0xffff  }
0x12c: {  	v54 =	vand.u32 $0x6, v53;
	v8 =	vadd.s32 v3, v8  }
0x12d: {  	v55 =	vor.u32 v2, v54;
	v8 =	vor.u32 v49, v8;
	v7 =	vand.u32 $0x38, v53  }
0x12e: {  	v56 =	vor.u32 v7, v55;
	_ =	sdelay $0x1  }
0x12f: {  	v6 =	vmul.f32 v6, v5;
	_ =	sdelay $0x1  }
0x130: {  	[tilespmem:v8+s22+$0x0] =	vst.idx.msk $0xffff, v6  }
0x131: {  	v6 =	vld.idx.msk [tilespmem:v56+s25+$0x0], $0xffff  }
0x132: {  	v57 =	vadd.s32 v3, v7  }
0x133: {  	v7 =	vor.u32 $0x40, v7;
	v8 =	vor.u32 v54, v57  }
0x134: {  	v9 =	vor.u32 v7, v55;
	_ =	sdelay $0x1  }
0x135: {  	v6 =	vmul.f32 v6, v4;
	_ =	sdelay $0x1  }
0x136: {  	s10 =	sadd.s32 $0x3, s0;
	[tilespmem:v8+s22+$0x0] =	vst.idx.msk $0xffff, v6  }
0x137: {  	v58 =	vmov s10;
	v6 =	vld.idx.msk [tilespmem:v9+s25+$0x0], $0xffff  }
0x138: {  	v59 =	vand.u32 $0x7, v58;
	v7 =	vadd.s32 v3, v7  }
0x139: {  	v2 =	vor.u32 v2, v59;
	v7 =	vor.u32 v54, v7;
	v8 =	vand.u32 $0x38, v58  }
0x13a: {  	v60 =	vor.u32 v8, v2;
	_ =	sdelay $0x1  }
0x13b: {  	v6 =	vmul.f32 v6, v5;
	_ =	sdelay $0x1  }
0x13c: {  	[tilespmem:v7+s22+$0x0] =	vst.idx.msk $0xffff, v6  }
0x13d: {  	v6 =	vld.idx.msk [tilespmem:v60+s25+$0x0], $0xffff  }
0x13e: {  	v61 =	vadd.s32 v3, v8  }
0x13f: {  	v8 =	vor.u32 $0x40, v8;
	v7 =	vor.u32 v59, v61  }
0x140: {  	v2 =	vor.u32 v8, v2;
	_ =	sdelay $0x1  }
0x141: {  	v6 =	vmul.f32 v6, v4;
	_ =	sdelay $0x1  }
0x142: {  	[tilespmem:v7+s22+$0x0] =	vst.idx.msk $0xffff, v6  }
0x143: {  	v2 =	vld.idx.msk [tilespmem:v2+s25+$0x0], $0xffff  }
0x144: {  	v62 =	vadd.s32 v3, v8  }
0x145: {  	v6 =	vor.u32 v59, v62  }
0x146: {  	v63 =	vadd.s32 $0x80, v3;
	s20 =	sadd.s32 $0x1, s20  }
0x147: {  	p0 =	sne.s32 s20, $0x6;
	v3 =	vadd.s32 $0x81, v3  }
.Ltmp2:
0x148: {  	v2 =	vmul.f32 v2, v5;
	(pc) =	sbr.rel @p0 .LBB2_3-.Ltmp2, $4  }
0x149: {  	_ = 	snop  }
0x14a: {  	[tilespmem:v6+s22+$0x0] =	vst.idx.msk $0xffff, v2  }
0x14b: {  	[tilespmem:v63+s22+$0x0] =	vst.idx.msk $0xffff, v4  }
0x14c: {  	[tilespmem:v3+s22+$0x0] =	vst.idx.msk $0xffff, v5  }
0x14d: {  	s31 =	sadd.s32 $0x1, s31  }
0x14e: {  	p0 =	sne.s32 s31, $0x70  }
.Ltmp3:
0x14f: {  	_ = 	snop;
	(pc) =	sbr.rel @p0 .LBB2_2-.Ltmp3, $4  }
0x150: {  	[spmem:s2] =	stream.indirect.scatter.add.f32 [tilespmem:s22], [sflag:$0x3], $0x88, s23, s24, $0xb8;
	[tilespmem:$0x1E8B0] =	vst v63  }
0x151: {  	_ =	swait.ge [sflag:s21], $0x3300  }
0x152: {  	[sflag:s21] =	ssyncset.done $0x0  }
0x153: {  	[sflag:s21] =	ssyncadd.s32 $0xFFFFCD00  }
0x154: {  	s0 =	stileid.u32;
	s30 =	sadd.s32 $0x1, s30  }
0x155: {  	[bflag:$0x0] =	sbarrier.arrive $0xFFFF;
	s0 =	sshll.u32 s0, $0x6;
	p0 =	sne.s32 s30, s19  }
.Ltmp4:
0x156: {  	s1 =	sshrl.u32 s9, $0x3;
	s0 =	sor.u32 $0x1C03, s0;
	(pc) =	sbr.rel @p0 .LBB2_1-.Ltmp4, $4  }
0x157: {  	[hbm:s18], [sflag:s0] =	dma.local [spmem:s1], $0x2992  }
0x158: {  	_ =	swait.ge [sflag:s21], $0x2992  }
0x159: {  	[sflag:s21] =	ssyncset.done $0x0  }
0x15a: {  	[sflag:s21] =	ssyncadd.s32 $0xFFFFD66E  }
0x15b: {  	_ =	sfence.sel $0x180000  }
0x15c: {  	[bflag:$0x0] =	sbarrier.arrive $0xFFFF  }
0x15d: {  	_ =	strace $0x90000047  }
0x15e: {  	s0 =	stileid.u32;
	[bflag:$0x2] =	sbarrier.arrive $0xFFFF  }
0x15f: {  	p0 =	sne.s32 s0, $0x0;
	s0 =	rddreg [dreg:$0x3]  }
0x160: {  	s0 =	sadd.s32 @!p0 $0x100000, s0  }
0x161: {  	[sflag:s0] =	ssyncadd.tile.s32 @!p0 $0x1;
	_ =	shalt  }
.Lfunc_end2:
_tile_overlayer_lowered:
.L_overlay_start_2:
0x162: {  	(tag) =	ssettag $0x2  }
0x163: {  	s0 =	rddreg [dreg:$0x0];
	s2 =	stileid.u32  }
0x164: {  	s1 =	rddreg [dreg:$0x1];
	p0 =	sne.s32 s2, $0x0  }
0x165: {  	s3 =	rddreg [dreg:$0x2];
	[bflag:$0x3] =	sbarrier.arrive $0xFFFF;
	s2 =	simm.s32 @!p0 $0x1C03  }
0x166: {  	[timem:s3], [sflag:s2] =	dma.local @!p0 [hbm:s0], s1  }
0x167: {  	s0 =	simm.s32 @!p0 $0x3  }
0x168: {  	_ =	swait.ge @!p0 [sflag:s0], s1  }
0x169: {  	s1 =	ssub.s32 @!p0 $0x0, s1;
	[sflag:s0] =	ssyncset.done @!p0 $0x0  }
0x16a: {  	[sflag:s0] =	ssyncadd.s32 @!p0 s1  }
0x16b: {  	[bflag:$0x3] =	sbarrier.arrive $0xFFFF  }
0x16c: {  	_ =	shalt  }

</sc_bundles>
